<compile_context>
chip_gen: v7x
topology: tpu7x:2x2x1
jax: 0.10.2.dev20260603
libtpu: 0.0.44.dev20260713+nightly
codegen_flags: <defaults>
</compile_context>

<pallas_src>
import functools

import jax
import jax.numpy as jnp
import numpy as np
from jax import lax
from jax.experimental import pallas as pl
from jax.experimental.pallas import tpu as pltpu
from jax.experimental.pallas import tpu_sc as plsc

B = 16384
F = 26
V = 100000
D = 16
ROWS = F * (V + 1)

NC = 2
NS = 16
NW = NC * NS
NIDX = B * F
CHUNK = 128
PER_W = NIDX // NW
NCH_W = PER_W // CHUNK
NCH_TOTAL = NIDX // CHUNK


GROUP = 13
GROWS = GROUP * CHUNK
NGRP = NCH_W // GROUP

VW = 1024
NFULL = (V + 1) // VW
VTAIL = (V + 1) - NFULL * VW
CPF = NFULL + 1
FSTRIDE = CPF * VW
ROWSP = F * FSTRIDE
NITEMS = F * CPF
K1_ITERS = -(-NITEMS // NW)


def _transpose_body(nat_hbm, tail_hbm, lin_out, ibuf, obuf, isem,
                    osem0, osem1):
    wid = lax.axis_index("s") * NC + lax.axis_index("c")
    row16 = lax.iota(jnp.int32, 16)
    osems = (osem0, osem1)

    def dst_off(item):
        return (item // CPF * FSTRIDE + item % CPF * VW) * D

    def issue_input(item, p):
        f = item // CPF
        c = item % CPF

        @pl.when(c < NFULL)
        def _():
            pltpu.async_copy(nat_hbm.at[pl.ds(f * D, D), pl.ds(c * VW, VW)],
                             ibuf.at[p], isem)

        @pl.when(c == NFULL)
        def _():
            pltpu.async_copy(tail_hbm.at[pl.ds(f * D, D)], ibuf.at[p], isem)

    def wait_input(item, p):
        f = item // CPF
        pltpu.make_async_copy(nat_hbm.at[pl.ds(f * D, D), pl.ds(0, VW)],
                              ibuf.at[p], isem).wait()

    def transpose_into(p):
        def xpose(v, cv):
            row = plsc.load_gather(ibuf.at[p], [row16, cv])
            obuf[p, pl.ds(v * 16, 16)] = row
            return cv + 1

        plsc.parallel_loop(0, VW, unroll=8,
                           carry=jnp.zeros((16,), jnp.int32))(xpose)

    def step(i, p):
        item = wid + i * NW
        nxt = item + NW
        prev = item - 2 * NW

        @pl.when(item < NITEMS)
        def _():
            wait_input(item, p)

        @pl.when(nxt < NITEMS)
        def _():
            issue_input(nxt, 1 - p)

        @pl.when((prev >= 0) & (prev < NITEMS))
        def _():
            pltpu.make_async_copy(obuf.at[p],
                                  lin_out.at[pl.ds(dst_off(prev), VW * D)],
                                  osems[p]).wait()

        @pl.when(item < NITEMS)
        def _():
            transpose_into(p)
            pltpu.async_copy(obuf.at[p],
                             lin_out.at[pl.ds(dst_off(item), VW * D)],
                             osems[p])

    issue_input(wid, 0)

    def outer(io, carry):
        for h in range(2):
            step(2 * io + h, h)
        return carry

    lax.fori_loop(0, (K1_ITERS + 2) // 2, outer, 0)


@jax.jit
def _sc_transpose(nat, tail):
    mesh = plsc.VectorSubcoreMesh(core_axis_name="c", subcore_axis_name="s")
    return pl.kernel(
        _transpose_body,
        out_type=jax.ShapeDtypeStruct((ROWSP * D,), jnp.float32),
        mesh=mesh,
        compiler_params=pltpu.CompilerParams(needs_layout_passes=False),
        scratch_types=[
            pltpu.VMEM((2, D, VW), jnp.float32),
            pltpu.VMEM((2, VW * D), jnp.float32),
            pltpu.SemaphoreType.DMA,
            pltpu.SemaphoreType.DMA,
            pltpu.SemaphoreType.DMA,
        ],
    )(nat, tail)


def _gather_body(gidx_hbm, emb_hbm, fo_hbm, emb_out, fo_out,
                 idx_v, ebig, fbig, gsem0, gsem1, wsem0, wsem1):
    wid = lax.axis_index("s") * NC + lax.axis_index("c")
    base_row = wid * PER_W
    pltpu.sync_copy(gidx_hbm.at[pl.ds(wid * NGRP, NGRP)], idx_v)

    gsems = (gsem0, gsem1)
    wsems = (wsem0, wsem1)

    def issue_gathers(g, p):
        pltpu.async_copy(emb_hbm.at[idx_v.at[g]], ebig.at[p], gsems[p])
        pltpu.async_copy(fo_hbm.at[idx_v.at[g]], fbig.at[p], gsems[p])

    def wait_gathers(g, p):
        pltpu.make_async_copy(emb_hbm.at[idx_v.at[g]], ebig.at[p],
                              gsems[p]).wait()
        pltpu.make_async_copy(fo_hbm.at[idx_v.at[g]], fbig.at[p],
                              gsems[p]).wait()

    def issue_wb(g, p):
        start = base_row + g * GROWS
        pltpu.async_copy(ebig.at[p], emb_out.at[pl.ds(start, GROWS)], wsems[p])
        pltpu.async_copy(fbig.at[p], fo_out.at[pl.ds(start, GROWS)], wsems[p])

    def wait_wb(g, p):
        start = base_row + g * GROWS
        pltpu.make_async_copy(ebig.at[p], emb_out.at[pl.ds(start, GROWS)],
                              wsems[p]).wait()
        pltpu.make_async_copy(fbig.at[p], fo_out.at[pl.ds(start, GROWS)],
                              wsems[p]).wait()

    for g in range(2):
        issue_gathers(g, g)
        wait_gathers(g, g)
        issue_wb(g, g)

    def outer(go, carry):
        for p in range(2):
            g = 2 * go + 2 + p
            wait_wb(g - 2, p)
            issue_gathers(g, p)
            wait_gathers(g, p)
            issue_wb(g, p)
        return carry

    lax.fori_loop(0, (NGRP - 2) // 2, outer, 0)

    for p in range(2):
        wait_wb(NGRP - 2 + p, p)


@jax.jit
def _sc_gather(gidx, emb_flat, fo_flat):
    mesh = plsc.VectorSubcoreMesh(core_axis_name="c", subcore_axis_name="s")
    return pl.kernel(
        _gather_body,
        out_type=(
            jax.ShapeDtypeStruct((NIDX, D), jnp.float32),
            jax.ShapeDtypeStruct((NIDX,), jnp.float32),
        ),
        mesh=mesh,
        compiler_params=pltpu.CompilerParams(use_tc_tiling_on_sc=False),
        scratch_types=[
            pltpu.VMEM((NGRP, GROWS), jnp.int32),
            pltpu.VMEM((2, GROWS, D), jnp.float32),
            pltpu.VMEM((2, GROWS), jnp.float32),
            pltpu.SemaphoreType.DMA,
            pltpu.SemaphoreType.DMA,
            pltpu.SemaphoreType.DMA,
            pltpu.SemaphoreType.DMA,
        ],
    )(gidx, emb_flat, fo_flat)


BB = 2048


def _mlp_body(emb_ref, fo_ref, s_ref, w1_ref, b1_ref, w2_ref, b2_ref,
              w3_ref, b3_ref, w4_ref, b4_ref, out_ref):
    e = emb_ref[...]
    s = s_ref[...]
    sum_d = jnp.dot(e, s, preferred_element_type=jnp.float32)
    sq_d = jnp.dot(e * e, s, preferred_element_type=jnp.float32)
    second = 0.5 * jnp.sum(sum_d * sum_d - sq_d, axis=1, keepdims=True)
    first = jnp.sum(fo_ref[...], axis=1, keepdims=True)
    h = jnp.maximum(jnp.dot(e, w1_ref[...], preferred_element_type=jnp.float32)
                    + b1_ref[...], 0.0)
    h = jnp.maximum(jnp.dot(h, w2_ref[...], preferred_element_type=jnp.float32)
                    + b2_ref[...], 0.0)
    h = jnp.maximum(jnp.dot(h, w3_ref[...], preferred_element_type=jnp.float32)
                    + b3_ref[...], 0.0)
    logit = (jnp.dot(h, w4_ref[...], preferred_element_type=jnp.float32)
             + b4_ref[...] + first + second)
    out_ref[...] = jax.nn.sigmoid(logit)


@jax.jit
def _tc_mlp(emb, fo, sel, W1, b1, W2, b2, W3, b3, W4, b4):
    full = lambda shape: pl.BlockSpec(shape, lambda i: (0, 0))
    return pl.pallas_call(
        _mlp_body,
        grid=(B // BB,),
        in_specs=[
            pl.BlockSpec((BB, F * D), lambda i: (i, 0)),
            pl.BlockSpec((BB, F), lambda i: (i, 0)),
            full(sel.shape),
            full(W1.shape), full(b1.shape),
            full(W2.shape), full(b2.shape),
            full(W3.shape), full(b3.shape),
            full(W4.shape), full(b4.shape),
        ],
        out_specs=pl.BlockSpec((BB, 1), lambda i: (i, 0)),
        out_shape=jax.ShapeDtypeStruct((B, 1), jnp.float32),
    )(emb, fo, sel, W1, b1, W2, b2, W3, b3, W4, b4)


_SEL = np.kron(np.ones((F, 1), np.float32), np.eye(D, dtype=np.float32))


def kernel(x, emb_tables, fo_tables, W1, b1, W2, b2, W3, b3, W4, b4):
    offs = jnp.arange(F, dtype=jnp.int32) * FSTRIDE
    gidx = (x.astype(jnp.int32) + offs[None, :]).reshape(NW * NGRP, GROWS)
    emb_nat = jnp.transpose(emb_tables, (0, 2, 1)).reshape(F * D, V + 1)
    emb_tail = jnp.pad(emb_nat[:, NFULL * VW:], ((0, 0), (0, VW - VTAIL)))
    emb_flat = _sc_transpose(emb_nat, emb_tail).reshape(ROWSP, D)
    fo_flat = jnp.pad(fo_tables.reshape(F, V + 1),
                      ((0, 0), (0, FSTRIDE - (V + 1)))).reshape(ROWSP)
    emb_g, fo_g = _sc_gather(gidx, emb_flat, fo_flat)
    out = _tc_mlp(emb_g.reshape(B, F * D), fo_g.reshape(B, F),
                  jnp.asarray(_SEL),
                  W1, b1.reshape(1, -1), W2, b2.reshape(1, -1),
                  W3, b3.reshape(1, -1), W4, b4.reshape(1, -1))
    return out.reshape(B)

# --- scband reference (transcript-rebuilt; emitter-appended) ---
"""Pipeline reference for scband-deep-fm-19980187861830 (READ-ONLY COPY).

The authoritative reference and input builder live on the scoring server;
editing this copy changes nothing except your own understanding.
"""

import jax, jax.numpy as jnp
import numpy as np

B = 16384
F = 26
V = 100000
D = 16
HIDDEN = [256, 128, 64]

def setup_inputs(seed: int = 0) -> dict:
    key = jax.random.key(seed)
    ks = jax.random.split(key, 16)
    x = jax.random.randint(ks[0], (B, F), 0, V).astype(jnp.int64)
    emb_tables = jax.random.normal(ks[1], (F, V + 1, D), dtype=jnp.float32) * 0.01
    fo_tables = jax.random.normal(ks[2], (F, V + 1, 1), dtype=jnp.float32) * 0.01
    in_dim = F * D
    dims = [in_dim] + HIDDEN + [1]
    params = {}
    for i in range(len(dims) - 1):
        fan_in = dims[i]
        bound = 1.0 / np.sqrt(fan_in)
        params[f"W{i+1}"] = jax.random.uniform(ks[3 + 2 * i], (dims[i], dims[i + 1]), minval=-bound, maxval=bound, dtype=jnp.float32)
        params[f"b{i+1}"] = jax.random.uniform(ks[4 + 2 * i], (dims[i + 1],), minval=-bound, maxval=bound, dtype=jnp.float32)
    return {"x": x, "emb_tables": emb_tables, "fo_tables": fo_tables, **params}

def reference(x, emb_tables, fo_tables, W1, b1, W2, b2, W3, b3, W4, b4):
    f_idx = jnp.arange(F)
    # first order: gather [B, F] scalar terms and sum over fields
    fo = fo_tables[f_idx, x][..., 0]  # [B, F]
    first_order = jnp.sum(fo, axis=1, keepdims=True)  # [B, 1]
    # embeddings: [B, F, D]
    embed = emb_tables[f_idx, x]
    # FM second order
    sum_square = jnp.sum(embed, axis=1) ** 2  # [B, D]
    square_sum = jnp.sum(embed ** 2, axis=1)  # [B, D]
    second_order = 0.5 * jnp.sum(sum_square - square_sum, axis=1, keepdims=True)  # [B, 1]
    # deep part (dropout is identity in eval mode)
    h = embed.reshape(embed.shape[0], -1)
    h = jax.nn.relu(h @ W1 + b1)
    h = jax.nn.relu(h @ W2 + b2)
    h = jax.nn.relu(h @ W3 + b3)
    deep_out = h @ W4 + b4  # [B, 1]
    return jnp.squeeze(jax.nn.sigmoid(first_order + second_order + deep_out))

if __name__ == "__main__":
    import jax
    _d = setup_inputs()
    print(jax.jit(kernel)(*tuple(_d.values())))

</pallas_src>

<mosaic_0001>
#map = affine_map<(d0, d1) -> (0, 0)>
#map1 = affine_map<(d0, d1) -> (0)>
module attributes {stable_mosaic.version = 14 : i64} {
  func.func @_transpose_body(%arg0: i32, %arg1: i32, %arg2: memref<416x100001xf32, #tpu.memory_space<hbm>>, %arg3: memref<416x1024xf32, #tpu.memory_space<hbm>>, %arg4: memref<41746432xf32, #tpu.memory_space<hbm>>, %arg5: memref<2x16x1024xf32, #tpu.memory_space<vmem>>, %arg6: memref<2x16384xf32, #tpu.memory_space<vmem>>, %arg7: memref<!tpu.dma_semaphore, #tpu.memory_space<semaphore_mem>>, %arg8: memref<!tpu.dma_semaphore, #tpu.memory_space<semaphore_mem>>, %arg9: memref<!tpu.dma_semaphore, #tpu.memory_space<semaphore_mem>>) attributes {dimension_semantics = [#tpu.dimension_semantics<core_parallel>, #tpu.dimension_semantics<subcore_parallel>], iteration_bounds = array<i64: 2, 16>, scalar_prefetch = 0 : i64, scratch_operands = 5 : i64, tpu.core_type = #tpu.core_type<sc_vector_subcore>, window_params = [{transform_indices = #map}, {transform_indices = #map}, {transform_indices = #map1}]} {
    %mul3A = arith.constant 2 : i32
    %mul3A_0 = arith.muli %arg1, %mul3A : i32
    %add3A = arith.addi %mul3A_0, %arg0 : i32
    %iota3A = tpu.iota {dimensions = array<i32: 0>} : vector<16xi32>
    %jit3A = arith.constant 98 : i32
    %div3A = arith.divsi %add3A, %jit3A : i32
    %sign3A = arith.constant 0 : i32
    %sign3A_1 = arith.cmpi sgt, %add3A, %sign3A : i32
    %sign3A_2 = arith.extui %sign3A_1 : i1 to i32
    %sign3A_3 = arith.constant 0 : i32
    %sign3A_4 = arith.cmpi slt, %add3A, %sign3A_3 : i32
    %sign3A_5 = arith.extui %sign3A_4 : i1 to i32
    %sign3A_6 = arith.subi %sign3A_2, %sign3A_5 : i32
    %sign3A_7 = arith.constant 0 : i32
    %sign3A_8 = arith.cmpi sgt, %jit3A, %sign3A_7 : i32
    %sign3A_9 = arith.extui %sign3A_8 : i1 to i32
    %sign3A_10 = arith.constant 0 : i32
    %sign3A_11 = arith.cmpi slt, %jit3A, %sign3A_10 : i32
    %sign3A_12 = arith.extui %sign3A_11 : i1 to i32
    %sign3A_13 = arith.subi %sign3A_9, %sign3A_12 : i32
    %ne3A = arith.cmpi ne, %sign3A_6, %sign3A_13 : i32
    %rem3A = arith.remsi %add3A, %jit3A : i32
    %ne3A_14 = arith.constant 0 : i32
    %ne3A_15 = arith.cmpi ne, %rem3A, %ne3A_14 : i32
    %and3A = arith.andi %ne3A, %ne3A_15 : i1
    %sub3A = arith.constant 1 : i32
    %sub3A_16 = arith.subi %div3A, %sub3A : i32
    %select_n3A = arith.select %and3A, %sub3A_16, %div3A : i32
    %jit3A_17 = arith.constant 98 : i32
    %eq3A = arith.constant 0 : i32
    %eq3A_18 = arith.cmpi eq, %jit3A_17, %eq3A : i32
    %jit3A_19 = arith.constant 1 : i32
    %select_n3A_20 = arith.select %eq3A_18, %jit3A_19, %jit3A_17 : i32
    %rem3A_21 = arith.remsi %add3A, %select_n3A_20 : i32
    %ne3A_22 = arith.constant 0 : i32
    %ne3A_23 = arith.cmpi ne, %rem3A_21, %ne3A_22 : i32
    %lt3A = arith.constant 0 : i32
    %lt3A_24 = arith.cmpi slt, %rem3A_21, %lt3A : i32
    %lt3A_25 = arith.constant 0 : i32
    %lt3A_26 = arith.cmpi slt, %select_n3A_20, %lt3A_25 : i32
    %ne3A_27 = arith.xori %lt3A_24, %lt3A_26 : i1
    %and3A_28 = arith.andi %ne3A_27, %ne3A_23 : i1
    %add3A_29 = arith.addi %rem3A_21, %select_n3A_20 : i32
    %select_n3A_30 = arith.select %and3A_28, %add3A_29, %rem3A_21 : i32
    %lt3A_31 = arith.constant 97 : i32
    %lt3A_32 = arith.cmpi slt, %select_n3A_30, %lt3A_31 : i32
    %convert_element_type3A = arith.extui %lt3A_32 : i1 to i32
    %cond3A = arith.constant 0 : i32
    %cond3A_33 = arith.cmpi ne, %convert_element_type3A, %cond3A : i32
    scf.if %cond3A_33 {
      %mul3A_44 = arith.constant 16 : i32
      %mul3A_45 = arith.muli %select_n3A, %mul3A_44 : i32
      %mul3A_46 = arith.constant 1024 : i32
      %mul3A_47 = arith.muli %select_n3A_30, %mul3A_46 : i32
      %dma_start3A = arith.constant 0 : i32
      %dma_start3A_48 = arith.constant 0 : i32
      %dma_start3A_49 = arith.constant 0 : i32
      %dma_start3A_50 = tpu.memref_slice %arg5[%dma_start3A, %dma_start3A_48, %dma_start3A_49] : memref<2x16x1024xf32, #tpu.memory_space<vmem>> -> memref<1x16x1024xf32, #tpu.memory_space<vmem>>
      %dma_start3A_51 = tpu.memref_squeeze %dma_start3A_50 : memref<1x16x1024xf32, #tpu.memory_space<vmem>> -> memref<16x1024xf32, #tpu.memory_space<vmem>>
      %dma_start3A_52 = tpu.memref_slice %arg2[%mul3A_45, %mul3A_47] : memref<416x100001xf32, #tpu.memory_space<hbm>> -> memref<16x1024xf32, #tpu.memory_space<hbm>>
      %dma_start3A_53 = arith.constant 0 : i32
      %dma_start3A_54 = arith.constant 0 : i32
      %dma_start3A_55 = tpu.memref_slice %arg5[%dma_start3A, %dma_start3A_53, %dma_start3A_54] : memref<2x16x1024xf32, #tpu.memory_space<vmem>> -> memref<1x16x1024xf32, #tpu.memory_space<vmem>>
      %dma_start3A_56 = tpu.memref_squeeze %dma_start3A_55 : memref<1x16x1024xf32, #tpu.memory_space<vmem>> -> memref<16x1024xf32, #tpu.memory_space<vmem>>
      %dma_start3A_57 = tpu.memref_slice %arg2[%mul3A_45, %mul3A_47] : memref<416x100001xf32, #tpu.memory_space<hbm>> -> memref<16x1024xf32, #tpu.memory_space<hbm>>
      tpu.enqueue_dma source(%dma_start3A_57 : memref<16x1024xf32, #tpu.memory_space<hbm>>) target(%dma_start3A_56 : memref<16x1024xf32, #tpu.memory_space<vmem>>) target_semaphore(%arg7 : memref<!tpu.dma_semaphore, #tpu.memory_space<semaphore_mem>>)
    } else {
    }
    %eq3A_34 = arith.constant 97 : i32
    %eq3A_35 = arith.cmpi eq, %select_n3A_30, %eq3A_34 : i32
    %convert_element_type3A_36 = arith.extui %eq3A_35 : i1 to i32
    %cond3A_37 = arith.constant 0 : i32
    %cond3A_38 = arith.cmpi ne, %convert_element_type3A_36, %cond3A_37 : i32
    scf.if %cond3A_38 {
      %mul3A_44 = arith.constant 16 : i32
      %mul3A_45 = arith.muli %select_n3A, %mul3A_44 : i32
      %dma_start3A = arith.constant 0 : i32
      %dma_start3A_46 = arith.constant 0 : i32
      %dma_start3A_47 = arith.constant 0 : i32
      %dma_start3A_48 = tpu.memref_slice %arg5[%dma_start3A, %dma_start3A_46, %dma_start3A_47] : memref<2x16x1024xf32, #tpu.memory_space<vmem>> -> memref<1x16x1024xf32, #tpu.memory_space<vmem>>
      %dma_start3A_49 = tpu.memref_squeeze %dma_start3A_48 : memref<1x16x1024xf32, #tpu.memory_space<vmem>> -> memref<16x1024xf32, #tpu.memory_space<vmem>>
      %dma_start3A_50 = arith.constant 0 : i32
      %dma_start3A_51 = tpu.memref_slice %arg3[%mul3A_45, %dma_start3A_50] : memref<416x1024xf32, #tpu.memory_space<hbm>> -> memref<16x1024xf32, #tpu.memory_space<hbm>>
      %dma_start3A_52 = arith.constant 0 : i32
      %dma_start3A_53 = arith.constant 0 : i32
      %dma_start3A_54 = tpu.memref_slice %arg5[%dma_start3A, %dma_start3A_52, %dma_start3A_53] : memref<2x16x1024xf32, #tpu.memory_space<vmem>> -> memref<1x16x1024xf32, #tpu.memory_space<vmem>>
      %dma_start3A_55 = tpu.memref_squeeze %dma_start3A_54 : memref<1x16x1024xf32, #tpu.memory_space<vmem>> -> memref<16x1024xf32, #tpu.memory_space<vmem>>
      %dma_start3A_56 = arith.constant 0 : i32
      %dma_start3A_57 = tpu.memref_slice %arg3[%mul3A_45, %dma_start3A_56] : memref<416x1024xf32, #tpu.memory_space<hbm>> -> memref<16x1024xf32, #tpu.memory_space<hbm>>
      tpu.enqueue_dma source(%dma_start3A_57 : memref<16x1024xf32, #tpu.memory_space<hbm>>) target(%dma_start3A_55 : memref<16x1024xf32, #tpu.memory_space<vmem>>) target_semaphore(%arg7 : memref<!tpu.dma_semaphore, #tpu.memory_space<semaphore_mem>>)
    } else {
    }
    %scan3A = arith.constant 0 : i32
    %scan3A_39 = arith.constant 0 : i32
    %scan3A_40 = arith.constant 41 : i32
    %scan3A_41 = arith.addi %scan3A_39, %scan3A_40 : i32
    %scan3A_42 = arith.constant 1 : i32
    scf.for %scan3A_44 = %scan3A_39 to %scan3A_41 step %scan3A_42  : i32 {
      %mul3A_45 = arith.constant 2 : i32
      %mul3A_46 = arith.muli %mul3A_45, %scan3A_44 : i32
      %add3A_47 = arith.constant 0 : i32
      %add3A_48 = arith.addi %mul3A_46, %add3A_47 : i32
      %mul3A_49 = arith.constant 32 : i32
      %mul3A_50 = arith.muli %add3A_48, %mul3A_49 : i32
      %add3A_51 = arith.addi %add3A, %mul3A_50 : i32
      %add3A_52 = arith.constant 32 : i32
      %add3A_53 = arith.addi %add3A_51, %add3A_52 : i32
      %sub3A_54 = arith.constant 64 : i32
      %sub3A_55 = arith.subi %add3A_51, %sub3A_54 : i32
      %lt3A_56 = arith.constant 2548 : i32
      %lt3A_57 = arith.cmpi slt, %add3A_51, %lt3A_56 : i32
      %convert_element_type3A_58 = arith.extui %lt3A_57 : i1 to i32
      %cond3A_59 = arith.constant 0 : i32
      %cond3A_60 = arith.cmpi ne, %convert_element_type3A_58, %cond3A_59 : i32
      scf.if %cond3A_60 {
        %jit3A_112 = arith.constant 98 : i32
        %div3A_113 = arith.divsi %add3A_51, %jit3A_112 : i32
        %sign3A_114 = arith.constant 0 : i32
        %sign3A_115 = arith.cmpi sgt, %add3A_51, %sign3A_114 : i32
        %sign3A_116 = arith.extui %sign3A_115 : i1 to i32
        %sign3A_117 = arith.constant 0 : i32
        %sign3A_118 = arith.cmpi slt, %add3A_51, %sign3A_117 : i32
        %sign3A_119 = arith.extui %sign3A_118 : i1 to i32
        %sign3A_120 = arith.subi %sign3A_116, %sign3A_119 : i32
        %sign3A_121 = arith.constant 0 : i32
        %sign3A_122 = arith.cmpi sgt, %jit3A_112, %sign3A_121 : i32
        %sign3A_123 = arith.extui %sign3A_122 : i1 to i32
        %sign3A_124 = arith.constant 0 : i32
        %sign3A_125 = arith.cmpi slt, %jit3A_112, %sign3A_124 : i32
        %sign3A_126 = arith.extui %sign3A_125 : i1 to i32
        %sign3A_127 = arith.subi %sign3A_123, %sign3A_126 : i32
        %ne3A_128 = arith.cmpi ne, %sign3A_120, %sign3A_127 : i32
        %rem3A_129 = arith.remsi %add3A_51, %jit3A_112 : i32
        %ne3A_130 = arith.constant 0 : i32
        %ne3A_131 = arith.cmpi ne, %rem3A_129, %ne3A_130 : i32
        %and3A_132 = arith.andi %ne3A_128, %ne3A_131 : i1
        %sub3A_133 = arith.constant 1 : i32
        %sub3A_134 = arith.subi %div3A_113, %sub3A_133 : i32
        %select_n3A_135 = arith.select %and3A_132, %sub3A_134, %div3A_113 : i32
        %mul3A_136 = arith.constant 16 : i32
        %mul3A_137 = arith.muli %select_n3A_135, %mul3A_136 : i32
        %dma_wait3A = arith.constant 0 : i32
        %dma_wait3A_138 = arith.constant 0 : i32
        %dma_wait3A_139 = arith.constant 0 : i32
        %dma_wait3A_140 = tpu.memref_slice %arg5[%dma_wait3A, %dma_wait3A_138, %dma_wait3A_139] : memref<2x16x1024xf32, #tpu.memory_space<vmem>> -> memref<1x16x1024xf32, #tpu.memory_space<vmem>>
        %dma_wait3A_141 = tpu.memref_squeeze %dma_wait3A_140 : memref<1x16x1024xf32, #tpu.memory_space<vmem>> -> memref<16x1024xf32, #tpu.memory_space<vmem>>
        %dma_wait3A_142 = arith.constant 0 : i32
        %dma_wait3A_143 = tpu.memref_slice %arg2[%mul3A_137, %dma_wait3A_142] : memref<416x100001xf32, #tpu.memory_space<hbm>> -> memref<16x1024xf32, #tpu.memory_space<hbm>>
        %dma_wait3A_144 = arith.constant 0 : i32
        %dma_wait3A_145 = arith.constant 0 : i32
        %dma_wait3A_146 = tpu.memref_slice %arg5[%dma_wait3A, %dma_wait3A_144, %dma_wait3A_145] : memref<2x16x1024xf32, #tpu.memory_space<vmem>> -> memref<1x16x1024xf32, #tpu.memory_space<vmem>>
        %dma_wait3A_147 = tpu.memref_squeeze %dma_wait3A_146 : memref<1x16x1024xf32, #tpu.memory_space<vmem>> -> memref<16x1024xf32, #tpu.memory_space<vmem>>
        %dma_wait3A_148 = arith.constant 0 : i32
        %dma_wait3A_149 = tpu.memref_slice %arg2[%mul3A_137, %dma_wait3A_148] : memref<416x100001xf32, #tpu.memory_space<hbm>> -> memref<16x1024xf32, #tpu.memory_space<hbm>>
        tpu.wait_dma2 semaphore(%arg7 : memref<!tpu.dma_semaphore, #tpu.memory_space<semaphore_mem>>) src(%dma_wait3A_149 : memref<16x1024xf32, #tpu.memory_space<hbm>>) dst(%dma_wait3A_147 : memref<16x1024xf32, #tpu.memory_space<vmem>>)
      } else {
      }
      %lt3A_61 = arith.constant 2548 : i32
      %lt3A_62 = arith.cmpi slt, %add3A_53, %lt3A_61 : i32
      %convert_element_type3A_63 = arith.extui %lt3A_62 : i1 to i32
      %cond3A_64 = arith.constant 0 : i32
      %cond3A_65 = arith.cmpi ne, %convert_element_type3A_63, %cond3A_64 : i32
      scf.if %cond3A_65 {
        %jit3A_112 = arith.constant 98 : i32
        %div3A_113 = arith.divsi %add3A_53, %jit3A_112 : i32
        %sign3A_114 = arith.constant 0 : i32
        %sign3A_115 = arith.cmpi sgt, %add3A_53, %sign3A_114 : i32
        %sign3A_116 = arith.extui %sign3A_115 : i1 to i32
        %sign3A_117 = arith.constant 0 : i32
        %sign3A_118 = arith.cmpi slt, %add3A_53, %sign3A_117 : i32
        %sign3A_119 = arith.extui %sign3A_118 : i1 to i32
        %sign3A_120 = arith.subi %sign3A_116, %sign3A_119 : i32
        %sign3A_121 = arith.constant 0 : i32
        %sign3A_122 = arith.cmpi sgt, %jit3A_112, %sign3A_121 : i32
        %sign3A_123 = arith.extui %sign3A_122 : i1 to i32
        %sign3A_124 = arith.constant 0 : i32
        %sign3A_125 = arith.cmpi slt, %jit3A_112, %sign3A_124 : i32
        %sign3A_126 = arith.extui %sign3A_125 : i1 to i32
        %sign3A_127 = arith.subi %sign3A_123, %sign3A_126 : i32
        %ne3A_128 = arith.cmpi ne, %sign3A_120, %sign3A_127 : i32
        %rem3A_129 = arith.remsi %add3A_53, %jit3A_112 : i32
        %ne3A_130 = arith.constant 0 : i32
        %ne3A_131 = arith.cmpi ne, %rem3A_129, %ne3A_130 : i32
        %and3A_132 = arith.andi %ne3A_128, %ne3A_131 : i1
        %sub3A_133 = arith.constant 1 : i32
        %sub3A_134 = arith.subi %div3A_113, %sub3A_133 : i32
        %select_n3A_135 = arith.select %and3A_132, %sub3A_134, %div3A_113 : i32
        %jit3A_136 = arith.constant 98 : i32
        %eq3A_137 = arith.constant 0 : i32
        %eq3A_138 = arith.cmpi eq, %jit3A_136, %eq3A_137 : i32
        %jit3A_139 = arith.constant 1 : i32
        %select_n3A_140 = arith.select %eq3A_138, %jit3A_139, %jit3A_136 : i32
        %rem3A_141 = arith.remsi %add3A_53, %select_n3A_140 : i32
        %ne3A_142 = arith.constant 0 : i32
        %ne3A_143 = arith.cmpi ne, %rem3A_141, %ne3A_142 : i32
        %lt3A_144 = arith.constant 0 : i32
        %lt3A_145 = arith.cmpi slt, %rem3A_141, %lt3A_144 : i32
        %lt3A_146 = arith.constant 0 : i32
        %lt3A_147 = arith.cmpi slt, %select_n3A_140, %lt3A_146 : i32
        %ne3A_148 = arith.xori %lt3A_145, %lt3A_147 : i1
        %and3A_149 = arith.andi %ne3A_148, %ne3A_143 : i1
        %add3A_150 = arith.addi %rem3A_141, %select_n3A_140 : i32
        %select_n3A_151 = arith.select %and3A_149, %add3A_150, %rem3A_141 : i32
        %lt3A_152 = arith.constant 97 : i32
        %lt3A_153 = arith.cmpi slt, %select_n3A_151, %lt3A_152 : i32
        %convert_element_type3A_154 = arith.extui %lt3A_153 : i1 to i32
        %cond3A_155 = arith.constant 0 : i32
        %cond3A_156 = arith.cmpi ne, %convert_element_type3A_154, %cond3A_155 : i32
        scf.if %cond3A_156 {
          %mul3A_162 = arith.constant 16 : i32
          %mul3A_163 = arith.muli %select_n3A_135, %mul3A_162 : i32
          %mul3A_164 = arith.constant 1024 : i32
          %mul3A_165 = arith.muli %select_n3A_151, %mul3A_164 : i32
          %dma_start3A = arith.constant 1 : i32
          %dma_start3A_166 = arith.constant 0 : i32
          %dma_start3A_167 = arith.constant 0 : i32
          %dma_start3A_168 = tpu.memref_slice %arg5[%dma_start3A, %dma_start3A_166, %dma_start3A_167] : memref<2x16x1024xf32, #tpu.memory_space<vmem>> -> memref<1x16x1024xf32, #tpu.memory_space<vmem>>
          %dma_start3A_169 = tpu.memref_squeeze %dma_start3A_168 : memref<1x16x1024xf32, #tpu.memory_space<vmem>> -> memref<16x1024xf32, #tpu.memory_space<vmem>>
          %dma_start3A_170 = tpu.memref_slice %arg2[%mul3A_163, %mul3A_165] : memref<416x100001xf32, #tpu.memory_space<hbm>> -> memref<16x1024xf32, #tpu.memory_space<hbm>>
          %dma_start3A_171 = arith.constant 0 : i32
          %dma_start3A_172 = arith.constant 0 : i32
          %dma_start3A_173 = tpu.memref_slice %arg5[%dma_start3A, %dma_start3A_171, %dma_start3A_172] : memref<2x16x1024xf32, #tpu.memory_space<vmem>> -> memref<1x16x1024xf32, #tpu.memory_space<vmem>>
          %dma_start3A_174 = tpu.memref_squeeze %dma_start3A_173 : memref<1x16x1024xf32, #tpu.memory_space<vmem>> -> memref<16x1024xf32, #tpu.memory_space<vmem>>
          %dma_start3A_175 = tpu.memref_slice %arg2[%mul3A_163, %mul3A_165] : memref<416x100001xf32, #tpu.memory_space<hbm>> -> memref<16x1024xf32, #tpu.memory_space<hbm>>
          tpu.enqueue_dma source(%dma_start3A_175 : memref<16x1024xf32, #tpu.memory_space<hbm>>) target(%dma_start3A_174 : memref<16x1024xf32, #tpu.memory_space<vmem>>) target_semaphore(%arg7 : memref<!tpu.dma_semaphore, #tpu.memory_space<semaphore_mem>>)
        } else {
        }
        %eq3A_157 = arith.constant 97 : i32
        %eq3A_158 = arith.cmpi eq, %select_n3A_151, %eq3A_157 : i32
        %convert_element_type3A_159 = arith.extui %eq3A_158 : i1 to i32
        %cond3A_160 = arith.constant 0 : i32
        %cond3A_161 = arith.cmpi ne, %convert_element_type3A_159, %cond3A_160 : i32
        scf.if %cond3A_161 {
          %mul3A_162 = arith.constant 16 : i32
          %mul3A_163 = arith.muli %select_n3A_135, %mul3A_162 : i32
          %dma_start3A = arith.constant 1 : i32
          %dma_start3A_164 = arith.constant 0 : i32
          %dma_start3A_165 = arith.constant 0 : i32
          %dma_start3A_166 = tpu.memref_slice %arg5[%dma_start3A, %dma_start3A_164, %dma_start3A_165] : memref<2x16x1024xf32, #tpu.memory_space<vmem>> -> memref<1x16x1024xf32, #tpu.memory_space<vmem>>
          %dma_start3A_167 = tpu.memref_squeeze %dma_start3A_166 : memref<1x16x1024xf32, #tpu.memory_space<vmem>> -> memref<16x1024xf32, #tpu.memory_space<vmem>>
          %dma_start3A_168 = arith.constant 0 : i32
          %dma_start3A_169 = tpu.memref_slice %arg3[%mul3A_163, %dma_start3A_168] : memref<416x1024xf32, #tpu.memory_space<hbm>> -> memref<16x1024xf32, #tpu.memory_space<hbm>>
          %dma_start3A_170 = arith.constant 0 : i32
          %dma_start3A_171 = arith.constant 0 : i32
          %dma_start3A_172 = tpu.memref_slice %arg5[%dma_start3A, %dma_start3A_170, %dma_start3A_171] : memref<2x16x1024xf32, #tpu.memory_space<vmem>> -> memref<1x16x1024xf32, #tpu.memory_space<vmem>>
          %dma_start3A_173 = tpu.memref_squeeze %dma_start3A_172 : memref<1x16x1024xf32, #tpu.memory_space<vmem>> -> memref<16x1024xf32, #tpu.memory_space<vmem>>
          %dma_start3A_174 = arith.constant 0 : i32
          %dma_start3A_175 = tpu.memref_slice %arg3[%mul3A_163, %dma_start3A_174] : memref<416x1024xf32, #tpu.memory_space<hbm>> -> memref<16x1024xf32, #tpu.memory_space<hbm>>
          tpu.enqueue_dma source(%dma_start3A_175 : memref<16x1024xf32, #tpu.memory_space<hbm>>) target(%dma_start3A_173 : memref<16x1024xf32, #tpu.memory_space<vmem>>) target_semaphore(%arg7 : memref<!tpu.dma_semaphore, #tpu.memory_space<semaphore_mem>>)
        } else {
        }
      } else {
      }
      %ge3A = arith.constant 0 : i32
      %ge3A_66 = arith.cmpi sge, %sub3A_55, %ge3A : i32
      %lt3A_67 = arith.constant 2548 : i32
      %lt3A_68 = arith.cmpi slt, %sub3A_55, %lt3A_67 : i32
      %and3A_69 = arith.andi %ge3A_66, %lt3A_68 : i1
      %convert_element_type3A_70 = arith.extui %and3A_69 : i1 to i32
      %cond3A_71 = arith.constant 0 : i32
      %cond3A_72 = arith.cmpi ne, %convert_element_type3A_70, %cond3A_71 : i32
      scf.if %cond3A_72 {
        %jit3A_112 = arith.constant 98 : i32
        %div3A_113 = arith.divsi %sub3A_55, %jit3A_112 : i32
        %sign3A_114 = arith.constant 0 : i32
        %sign3A_115 = arith.cmpi sgt, %sub3A_55, %sign3A_114 : i32
        %sign3A_116 = arith.extui %sign3A_115 : i1 to i32
        %sign3A_117 = arith.constant 0 : i32
        %sign3A_118 = arith.cmpi slt, %sub3A_55, %sign3A_117 : i32
        %sign3A_119 = arith.extui %sign3A_118 : i1 to i32
        %sign3A_120 = arith.subi %sign3A_116, %sign3A_119 : i32
        %sign3A_121 = arith.constant 0 : i32
        %sign3A_122 = arith.cmpi sgt, %jit3A_112, %sign3A_121 : i32
        %sign3A_123 = arith.extui %sign3A_122 : i1 to i32
        %sign3A_124 = arith.constant 0 : i32
        %sign3A_125 = arith.cmpi slt, %jit3A_112, %sign3A_124 : i32
        %sign3A_126 = arith.extui %sign3A_125 : i1 to i32
        %sign3A_127 = arith.subi %sign3A_123, %sign3A_126 : i32
        %ne3A_128 = arith.cmpi ne, %sign3A_120, %sign3A_127 : i32
        %rem3A_129 = arith.remsi %sub3A_55, %jit3A_112 : i32
        %ne3A_130 = arith.constant 0 : i32
        %ne3A_131 = arith.cmpi ne, %rem3A_129, %ne3A_130 : i32
        %and3A_132 = arith.andi %ne3A_128, %ne3A_131 : i1
        %sub3A_133 = arith.constant 1 : i32
        %sub3A_134 = arith.subi %div3A_113, %sub3A_133 : i32
        %select_n3A_135 = arith.select %and3A_132, %sub3A_134, %div3A_113 : i32
        %mul3A_136 = arith.constant 100352 : i32
        %mul3A_137 = arith.muli %select_n3A_135, %mul3A_136 : i32
        %jit3A_138 = arith.constant 98 : i32
        %eq3A_139 = arith.constant 0 : i32
        %eq3A_140 = arith.cmpi eq, %jit3A_138, %eq3A_139 : i32
        %jit3A_141 = arith.constant 1 : i32
        %select_n3A_142 = arith.select %eq3A_140, %jit3A_141, %jit3A_138 : i32
        %rem3A_143 = arith.remsi %sub3A_55, %select_n3A_142 : i32
        %ne3A_144 = arith.constant 0 : i32
        %ne3A_145 = arith.cmpi ne, %rem3A_143, %ne3A_144 : i32
        %lt3A_146 = arith.constant 0 : i32
        %lt3A_147 = arith.cmpi slt, %rem3A_143, %lt3A_146 : i32
        %lt3A_148 = arith.constant 0 : i32
        %lt3A_149 = arith.cmpi slt, %select_n3A_142, %lt3A_148 : i32
        %ne3A_150 = arith.xori %lt3A_147, %lt3A_149 : i1
        %and3A_151 = arith.andi %ne3A_150, %ne3A_145 : i1
        %add3A_152 = arith.addi %rem3A_143, %select_n3A_142 : i32
        %select_n3A_153 = arith.select %and3A_151, %add3A_152, %rem3A_143 : i32
        %mul3A_154 = arith.constant 1024 : i32
        %mul3A_155 = arith.muli %select_n3A_153, %mul3A_154 : i32
        %add3A_156 = arith.addi %mul3A_137, %mul3A_155 : i32
        %mul3A_157 = arith.constant 16 : i32
        %mul3A_158 = arith.muli %add3A_156, %mul3A_157 : i32
        %dma_wait3A = arith.constant 0 : i32
        %dma_wait3A_159 = arith.constant 0 : i32
        %dma_wait3A_160 = tpu.memref_slice %arg6[%dma_wait3A, %dma_wait3A_159] : memref<2x16384xf32, #tpu.memory_space<vmem>> -> memref<1x16384xf32, #tpu.memory_space<vmem>>
        %dma_wait3A_161 = tpu.memref_squeeze %dma_wait3A_160 : memref<1x16384xf32, #tpu.memory_space<vmem>> -> memref<16384xf32, #tpu.memory_space<vmem>>
        %dma_wait3A_162 = tpu.memref_slice %arg4[%mul3A_158] : memref<41746432xf32, #tpu.memory_space<hbm>> -> memref<16384xf32, #tpu.memory_space<hbm>>
        %dma_wait3A_163 = tpu.memref_slice %arg4[%mul3A_158] : memref<41746432xf32, #tpu.memory_space<hbm>> -> memref<16384xf32, #tpu.memory_space<hbm>>
        %dma_wait3A_164 = arith.constant 0 : i32
        %dma_wait3A_165 = tpu.memref_slice %arg6[%dma_wait3A, %dma_wait3A_164] : memref<2x16384xf32, #tpu.memory_space<vmem>> -> memref<1x16384xf32, #tpu.memory_space<vmem>>
        %dma_wait3A_166 = tpu.memref_squeeze %dma_wait3A_165 : memref<1x16384xf32, #tpu.memory_space<vmem>> -> memref<16384xf32, #tpu.memory_space<vmem>>
        tpu.wait_dma2 semaphore(%arg8 : memref<!tpu.dma_semaphore, #tpu.memory_space<semaphore_mem>>) src(%dma_wait3A_166 : memref<16384xf32, #tpu.memory_space<vmem>>) dst(%dma_wait3A_163 : memref<16384xf32, #tpu.memory_space<hbm>>)
      } else {
      }
      %lt3A_73 = arith.constant 2548 : i32
      %lt3A_74 = arith.cmpi slt, %add3A_51, %lt3A_73 : i32
      %convert_element_type3A_75 = arith.extui %lt3A_74 : i1 to i32
      %cond3A_76 = arith.constant 0 : i32
      %cond3A_77 = arith.cmpi ne, %convert_element_type3A_75, %cond3A_76 : i32
      scf.if %cond3A_77 {
        %broadcast_in_dim3A = arith.constant 0 : i32
        %broadcast_in_dim3A_112 = vector.broadcast %broadcast_in_dim3A : i32 to vector<16xi32>
        %parallel_loop3A = arith.constant 0 : i32
        %parallel_loop3A_113 = arith.constant 1024 : i32
        %parallel_loop3A_114 = arith.constant 1 : i32
        %parallel_loop3A_115 = scf.for %parallel_loop3A_171 = %parallel_loop3A to %parallel_loop3A_113 step %parallel_loop3A_114 iter_args(%parallel_loop3A_172 = %broadcast_in_dim3A_112) -> (vector<16xi32>)  : i32 {
          %parallel_loop3A_173 = arith.constant 0 : i32
          %parallel_loop3A_174 = arith.constant 0 : i32
          %parallel_loop3A_175 = arith.constant 0 : i32
          %parallel_loop3A_176 = tpu.memref_slice %arg5[%parallel_loop3A_173, %parallel_loop3A_174, %parallel_loop3A_175] : memref<2x16x1024xf32, #tpu.memory_space<vmem>> -> memref<1x16x1024xf32, #tpu.memory_space<vmem>>
          %parallel_loop3A_177 = tpu.memref_squeeze %parallel_loop3A_176 : memref<1x16x1024xf32, #tpu.memory_space<vmem>> -> memref<16x1024xf32, #tpu.memory_space<vmem>>
          %parallel_loop3A_178 = tpu.vector_load_idx %parallel_loop3A_177[%iota3A, %parallel_loop3A_172] : memref<16x1024xf32, #tpu.memory_space<vmem>>[vector<16xi32>, vector<16xi32>], vector<16xf32>,
          %parallel_loop3A_179 = arith.constant 16 : i32
          %parallel_loop3A_180 = arith.muli %parallel_loop3A_171, %parallel_loop3A_179 : i32
          %parallel_loop3A_181 = arith.constant 0 : i32
          %parallel_loop3A_182 = arith.index_cast %parallel_loop3A_181 : i32 to index
          %parallel_loop3A_183 = arith.index_cast %parallel_loop3A_180 : i32 to index
          %parallel_loop3A_184 = tpu.vector_load %arg6[%parallel_loop3A_182, %parallel_loop3A_183] {strides = array<i32>} : memref<2x16384xf32, #tpu.memory_space<vmem>>, vector<16xf32>,
          tpu.vector_store %arg6[%parallel_loop3A_182, %parallel_loop3A_183], %parallel_loop3A_178 {strides = array<i32>} : memref<2x16384xf32, #tpu.memory_space<vmem>>, vector<16xf32>,
          %parallel_loop3A_185 = arith.constant 1 : i32
          %parallel_loop3A_186 = vector.broadcast %parallel_loop3A_185 : i32 to vector<16xi32>
          %parallel_loop3A_187 = arith.addi %parallel_loop3A_172, %parallel_loop3A_186 : vector<16xi32>
          scf.yield %parallel_loop3A_187 : vector<16xi32>
        } {sc.loop_unroll_factor = 8 : i64, sc.parallel_access}
        %jit3A_116 = arith.constant 98 : i32
        %div3A_117 = arith.divsi %add3A_51, %jit3A_116 : i32
        %sign3A_118 = arith.constant 0 : i32
        %sign3A_119 = arith.cmpi sgt, %add3A_51, %sign3A_118 : i32
        %sign3A_120 = arith.extui %sign3A_119 : i1 to i32
        %sign3A_121 = arith.constant 0 : i32
        %sign3A_122 = arith.cmpi slt, %add3A_51, %sign3A_121 : i32
        %sign3A_123 = arith.extui %sign3A_122 : i1 to i32
        %sign3A_124 = arith.subi %sign3A_120, %sign3A_123 : i32
        %sign3A_125 = arith.constant 0 : i32
        %sign3A_126 = arith.cmpi sgt, %jit3A_116, %sign3A_125 : i32
        %sign3A_127 = arith.extui %sign3A_126 : i1 to i32
        %sign3A_128 = arith.constant 0 : i32
        %sign3A_129 = arith.cmpi slt, %jit3A_116, %sign3A_128 : i32
        %sign3A_130 = arith.extui %sign3A_129 : i1 to i32
        %sign3A_131 = arith.subi %sign3A_127, %sign3A_130 : i32
        %ne3A_132 = arith.cmpi ne, %sign3A_124, %sign3A_131 : i32
        %rem3A_133 = arith.remsi %add3A_51, %jit3A_116 : i32
        %ne3A_134 = arith.constant 0 : i32
        %ne3A_135 = arith.cmpi ne, %rem3A_133, %ne3A_134 : i32
        %and3A_136 = arith.andi %ne3A_132, %ne3A_135 : i1
        %sub3A_137 = arith.constant 1 : i32
        %sub3A_138 = arith.subi %div3A_117, %sub3A_137 : i32
        %select_n3A_139 = arith.select %and3A_136, %sub3A_138, %div3A_117 : i32
        %mul3A_140 = arith.constant 100352 : i32
        %mul3A_141 = arith.muli %select_n3A_139, %mul3A_140 : i32
        %jit3A_142 = arith.constant 98 : i32
        %eq3A_143 = arith.constant 0 : i32
        %eq3A_144 = arith.cmpi eq, %jit3A_142, %eq3A_143 : i32
        %jit3A_145 = arith.constant 1 : i32
        %select_n3A_146 = arith.select %eq3A_144, %jit3A_145, %jit3A_142 : i32
        %rem3A_147 = arith.remsi %add3A_51, %select_n3A_146 : i32
        %ne3A_148 = arith.constant 0 : i32
        %ne3A_149 = arith.cmpi ne, %rem3A_147, %ne3A_148 : i32
        %lt3A_150 = arith.constant 0 : i32
        %lt3A_151 = arith.cmpi slt, %rem3A_147, %lt3A_150 : i32
        %lt3A_152 = arith.constant 0 : i32
        %lt3A_153 = arith.cmpi slt, %select_n3A_146, %lt3A_152 : i32
        %ne3A_154 = arith.xori %lt3A_151, %lt3A_153 : i1
        %and3A_155 = arith.andi %ne3A_154, %ne3A_149 : i1
        %add3A_156 = arith.addi %rem3A_147, %select_n3A_146 : i32
        %select_n3A_157 = arith.select %and3A_155, %add3A_156, %rem3A_147 : i32
        %mul3A_158 = arith.constant 1024 : i32
        %mul3A_159 = arith.muli %select_n3A_157, %mul3A_158 : i32
        %add3A_160 = arith.addi %mul3A_141, %mul3A_159 : i32
        %mul3A_161 = arith.constant 16 : i32
        %mul3A_162 = arith.muli %add3A_160, %mul3A_161 : i32
        %dma_start3A = arith.constant 0 : i32
        %dma_start3A_163 = arith.constant 0 : i32
        %dma_start3A_164 = tpu.memref_slice %arg6[%dma_start3A, %dma_start3A_163] : memref<2x16384xf32, #tpu.memory_space<vmem>> -> memref<1x16384xf32, #tpu.memory_space<vmem>>
        %dma_start3A_165 = tpu.memref_squeeze %dma_start3A_164 : memref<1x16384xf32, #tpu.memory_space<vmem>> -> memref<16384xf32, #tpu.memory_space<vmem>>
        %dma_start3A_166 = tpu.memref_slice %arg4[%mul3A_162] : memref<41746432xf32, #tpu.memory_space<hbm>> -> memref<16384xf32, #tpu.memory_space<hbm>>
        %dma_start3A_167 = tpu.memref_slice %arg4[%mul3A_162] : memref<41746432xf32, #tpu.memory_space<hbm>> -> memref<16384xf32, #tpu.memory_space<hbm>>
        %dma_start3A_168 = arith.constant 0 : i32
        %dma_start3A_169 = tpu.memref_slice %arg6[%dma_start3A, %dma_start3A_168] : memref<2x16384xf32, #tpu.memory_space<vmem>> -> memref<1x16384xf32, #tpu.memory_space<vmem>>
        %dma_start3A_170 = tpu.memref_squeeze %dma_start3A_169 : memref<1x16384xf32, #tpu.memory_space<vmem>> -> memref<16384xf32, #tpu.memory_space<vmem>>
        tpu.enqueue_dma source(%dma_start3A_170 : memref<16384xf32, #tpu.memory_space<vmem>>) target(%dma_start3A_167 : memref<16384xf32, #tpu.memory_space<hbm>>) target_semaphore(%arg8 : memref<!tpu.dma_semaphore, #tpu.memory_space<semaphore_mem>>)
      } else {
      }
      %mul3A_78 = arith.constant 2 : i32
      %mul3A_79 = arith.muli %mul3A_78, %scan3A_44 : i32
      %add3A_80 = arith.constant 1 : i32
      %add3A_81 = arith.addi %mul3A_79, %add3A_80 : i32
      %mul3A_82 = arith.constant 32 : i32
      %mul3A_83 = arith.muli %add3A_81, %mul3A_82 : i32
      %add3A_84 = arith.addi %add3A, %mul3A_83 : i32
      %add3A_85 = arith.constant 32 : i32
      %add3A_86 = arith.addi %add3A_84, %add3A_85 : i32
      %sub3A_87 = arith.constant 64 : i32
      %sub3A_88 = arith.subi %add3A_84, %sub3A_87 : i32
      %lt3A_89 = arith.constant 2548 : i32
      %lt3A_90 = arith.cmpi slt, %add3A_84, %lt3A_89 : i32
      %convert_element_type3A_91 = arith.extui %lt3A_90 : i1 to i32
      %cond3A_92 = arith.constant 0 : i32
      %cond3A_93 = arith.cmpi ne, %convert_element_type3A_91, %cond3A_92 : i32
      scf.if %cond3A_93 {
        %jit3A_112 = arith.constant 98 : i32
        %div3A_113 = arith.divsi %add3A_84, %jit3A_112 : i32
        %sign3A_114 = arith.constant 0 : i32
        %sign3A_115 = arith.cmpi sgt, %add3A_84, %sign3A_114 : i32
        %sign3A_116 = arith.extui %sign3A_115 : i1 to i32
        %sign3A_117 = arith.constant 0 : i32
        %sign3A_118 = arith.cmpi slt, %add3A_84, %sign3A_117 : i32
        %sign3A_119 = arith.extui %sign3A_118 : i1 to i32
        %sign3A_120 = arith.subi %sign3A_116, %sign3A_119 : i32
        %sign3A_121 = arith.constant 0 : i32
        %sign3A_122 = arith.cmpi sgt, %jit3A_112, %sign3A_121 : i32
        %sign3A_123 = arith.extui %sign3A_122 : i1 to i32
        %sign3A_124 = arith.constant 0 : i32
        %sign3A_125 = arith.cmpi slt, %jit3A_112, %sign3A_124 : i32
        %sign3A_126 = arith.extui %sign3A_125 : i1 to i32
        %sign3A_127 = arith.subi %sign3A_123, %sign3A_126 : i32
        %ne3A_128 = arith.cmpi ne, %sign3A_120, %sign3A_127 : i32
        %rem3A_129 = arith.remsi %add3A_84, %jit3A_112 : i32
        %ne3A_130 = arith.constant 0 : i32
        %ne3A_131 = arith.cmpi ne, %rem3A_129, %ne3A_130 : i32
        %and3A_132 = arith.andi %ne3A_128, %ne3A_131 : i1
        %sub3A_133 = arith.constant 1 : i32
        %sub3A_134 = arith.subi %div3A_113, %sub3A_133 : i32
        %select_n3A_135 = arith.select %and3A_132, %sub3A_134, %div3A_113 : i32
        %mul3A_136 = arith.constant 16 : i32
        %mul3A_137 = arith.muli %select_n3A_135, %mul3A_136 : i32
        %dma_wait3A = arith.constant 1 : i32
        %dma_wait3A_138 = arith.constant 0 : i32
        %dma_wait3A_139 = arith.constant 0 : i32
        %dma_wait3A_140 = tpu.memref_slice %arg5[%dma_wait3A, %dma_wait3A_138, %dma_wait3A_139] : memref<2x16x1024xf32, #tpu.memory_space<vmem>> -> memref<1x16x1024xf32, #tpu.memory_space<vmem>>
        %dma_wait3A_141 = tpu.memref_squeeze %dma_wait3A_140 : memref<1x16x1024xf32, #tpu.memory_space<vmem>> -> memref<16x1024xf32, #tpu.memory_space<vmem>>
        %dma_wait3A_142 = arith.constant 0 : i32
        %dma_wait3A_143 = tpu.memref_slice %arg2[%mul3A_137, %dma_wait3A_142] : memref<416x100001xf32, #tpu.memory_space<hbm>> -> memref<16x1024xf32, #tpu.memory_space<hbm>>
        %dma_wait3A_144 = arith.constant 0 : i32
        %dma_wait3A_145 = arith.constant 0 : i32
        %dma_wait3A_146 = tpu.memref_slice %arg5[%dma_wait3A, %dma_wait3A_144, %dma_wait3A_145] : memref<2x16x1024xf32, #tpu.memory_space<vmem>> -> memref<1x16x1024xf32, #tpu.memory_space<vmem>>
        %dma_wait3A_147 = tpu.memref_squeeze %dma_wait3A_146 : memref<1x16x1024xf32, #tpu.memory_space<vmem>> -> memref<16x1024xf32, #tpu.memory_space<vmem>>
        %dma_wait3A_148 = arith.constant 0 : i32
        %dma_wait3A_149 = tpu.memref_slice %arg2[%mul3A_137, %dma_wait3A_148] : memref<416x100001xf32, #tpu.memory_space<hbm>> -> memref<16x1024xf32, #tpu.memory_space<hbm>>
        tpu.wait_dma2 semaphore(%arg7 : memref<!tpu.dma_semaphore, #tpu.memory_space<semaphore_mem>>) src(%dma_wait3A_149 : memref<16x1024xf32, #tpu.memory_space<hbm>>) dst(%dma_wait3A_147 : memref<16x1024xf32, #tpu.memory_space<vmem>>)
      } else {
      }
      %lt3A_94 = arith.constant 2548 : i32
      %lt3A_95 = arith.cmpi slt, %add3A_86, %lt3A_94 : i32
      %convert_element_type3A_96 = arith.extui %lt3A_95 : i1 to i32
      %cond3A_97 = arith.constant 0 : i32
      %cond3A_98 = arith.cmpi ne, %convert_element_type3A_96, %cond3A_97 : i32
      scf.if %cond3A_98 {
        %jit3A_112 = arith.constant 98 : i32
        %div3A_113 = arith.divsi %add3A_86, %jit3A_112 : i32
        %sign3A_114 = arith.constant 0 : i32
        %sign3A_115 = arith.cmpi sgt, %add3A_86, %sign3A_114 : i32
        %sign3A_116 = arith.extui %sign3A_115 : i1 to i32
        %sign3A_117 = arith.constant 0 : i32
        %sign3A_118 = arith.cmpi slt, %add3A_86, %sign3A_117 : i32
        %sign3A_119 = arith.extui %sign3A_118 : i1 to i32
        %sign3A_120 = arith.subi %sign3A_116, %sign3A_119 : i32
        %sign3A_121 = arith.constant 0 : i32
        %sign3A_122 = arith.cmpi sgt, %jit3A_112, %sign3A_121 : i32
        %sign3A_123 = arith.extui %sign3A_122 : i1 to i32
        %sign3A_124 = arith.constant 0 : i32
        %sign3A_125 = arith.cmpi slt, %jit3A_112, %sign3A_124 : i32
        %sign3A_126 = arith.extui %sign3A_125 : i1 to i32
        %sign3A_127 = arith.subi %sign3A_123, %sign3A_126 : i32
        %ne3A_128 = arith.cmpi ne, %sign3A_120, %sign3A_127 : i32
        %rem3A_129 = arith.remsi %add3A_86, %jit3A_112 : i32
        %ne3A_130 = arith.constant 0 : i32
        %ne3A_131 = arith.cmpi ne, %rem3A_129, %ne3A_130 : i32
        %and3A_132 = arith.andi %ne3A_128, %ne3A_131 : i1
        %sub3A_133 = arith.constant 1 : i32
        %sub3A_134 = arith.subi %div3A_113, %sub3A_133 : i32
        %select_n3A_135 = arith.select %and3A_132, %sub3A_134, %div3A_113 : i32
        %jit3A_136 = arith.constant 98 : i32
        %eq3A_137 = arith.constant 0 : i32
        %eq3A_138 = arith.cmpi eq, %jit3A_136, %eq3A_137 : i32
        %jit3A_139 = arith.constant 1 : i32
        %select_n3A_140 = arith.select %eq3A_138, %jit3A_139, %jit3A_136 : i32
        %rem3A_141 = arith.remsi %add3A_86, %select_n3A_140 : i32
        %ne3A_142 = arith.constant 0 : i32
        %ne3A_143 = arith.cmpi ne, %rem3A_141, %ne3A_142 : i32
        %lt3A_144 = arith.constant 0 : i32
        %lt3A_145 = arith.cmpi slt, %rem3A_141, %lt3A_144 : i32
        %lt3A_146 = arith.constant 0 : i32
        %lt3A_147 = arith.cmpi slt, %select_n3A_140, %lt3A_146 : i32
        %ne3A_148 = arith.xori %lt3A_145, %lt3A_147 : i1
        %and3A_149 = arith.andi %ne3A_148, %ne3A_143 : i1
        %add3A_150 = arith.addi %rem3A_141, %select_n3A_140 : i32
        %select_n3A_151 = arith.select %and3A_149, %add3A_150, %rem3A_141 : i32
        %lt3A_152 = arith.constant 97 : i32
        %lt3A_153 = arith.cmpi slt, %select_n3A_151, %lt3A_152 : i32
        %convert_element_type3A_154 = arith.extui %lt3A_153 : i1 to i32
        %cond3A_155 = arith.constant 0 : i32
        %cond3A_156 = arith.cmpi ne, %convert_element_type3A_154, %cond3A_155 : i32
        scf.if %cond3A_156 {
          %mul3A_162 = arith.constant 16 : i32
          %mul3A_163 = arith.muli %select_n3A_135, %mul3A_162 : i32
          %mul3A_164 = arith.constant 1024 : i32
          %mul3A_165 = arith.muli %select_n3A_151, %mul3A_164 : i32
          %dma_start3A = arith.constant 0 : i32
          %dma_start3A_166 = arith.constant 0 : i32
          %dma_start3A_167 = arith.constant 0 : i32
          %dma_start3A_168 = tpu.memref_slice %arg5[%dma_start3A, %dma_start3A_166, %dma_start3A_167] : memref<2x16x1024xf32, #tpu.memory_space<vmem>> -> memref<1x16x1024xf32, #tpu.memory_space<vmem>>
          %dma_start3A_169 = tpu.memref_squeeze %dma_start3A_168 : memref<1x16x1024xf32, #tpu.memory_space<vmem>> -> memref<16x1024xf32, #tpu.memory_space<vmem>>
          %dma_start3A_170 = tpu.memref_slice %arg2[%mul3A_163, %mul3A_165] : memref<416x100001xf32, #tpu.memory_space<hbm>> -> memref<16x1024xf32, #tpu.memory_space<hbm>>
          %dma_start3A_171 = arith.constant 0 : i32
          %dma_start3A_172 = arith.constant 0 : i32
          %dma_start3A_173 = tpu.memref_slice %arg5[%dma_start3A, %dma_start3A_171, %dma_start3A_172] : memref<2x16x1024xf32, #tpu.memory_space<vmem>> -> memref<1x16x1024xf32, #tpu.memory_space<vmem>>
          %dma_start3A_174 = tpu.memref_squeeze %dma_start3A_173 : memref<1x16x1024xf32, #tpu.memory_space<vmem>> -> memref<16x1024xf32, #tpu.memory_space<vmem>>
          %dma_start3A_175 = tpu.memref_slice %arg2[%mul3A_163, %mul3A_165] : memref<416x100001xf32, #tpu.memory_space<hbm>> -> memref<16x1024xf32, #tpu.memory_space<hbm>>
          tpu.enqueue_dma source(%dma_start3A_175 : memref<16x1024xf32, #tpu.memory_space<hbm>>) target(%dma_start3A_174 : memref<16x1024xf32, #tpu.memory_space<vmem>>) target_semaphore(%arg7 : memref<!tpu.dma_semaphore, #tpu.memory_space<semaphore_mem>>)
        } else {
        }
        %eq3A_157 = arith.constant 97 : i32
        %eq3A_158 = arith.cmpi eq, %select_n3A_151, %eq3A_157 : i32
        %convert_element_type3A_159 = arith.extui %eq3A_158 : i1 to i32
        %cond3A_160 = arith.constant 0 : i32
        %cond3A_161 = arith.cmpi ne, %convert_element_type3A_159, %cond3A_160 : i32
        scf.if %cond3A_161 {
          %mul3A_162 = arith.constant 16 : i32
          %mul3A_163 = arith.muli %select_n3A_135, %mul3A_162 : i32
          %dma_start3A = arith.constant 0 : i32
          %dma_start3A_164 = arith.constant 0 : i32
          %dma_start3A_165 = arith.constant 0 : i32
          %dma_start3A_166 = tpu.memref_slice %arg5[%dma_start3A, %dma_start3A_164, %dma_start3A_165] : memref<2x16x1024xf32, #tpu.memory_space<vmem>> -> memref<1x16x1024xf32, #tpu.memory_space<vmem>>
          %dma_start3A_167 = tpu.memref_squeeze %dma_start3A_166 : memref<1x16x1024xf32, #tpu.memory_space<vmem>> -> memref<16x1024xf32, #tpu.memory_space<vmem>>
          %dma_start3A_168 = arith.constant 0 : i32
          %dma_start3A_169 = tpu.memref_slice %arg3[%mul3A_163, %dma_start3A_168] : memref<416x1024xf32, #tpu.memory_space<hbm>> -> memref<16x1024xf32, #tpu.memory_space<hbm>>
          %dma_start3A_170 = arith.constant 0 : i32
          %dma_start3A_171 = arith.constant 0 : i32
          %dma_start3A_172 = tpu.memref_slice %arg5[%dma_start3A, %dma_start3A_170, %dma_start3A_171] : memref<2x16x1024xf32, #tpu.memory_space<vmem>> -> memref<1x16x1024xf32, #tpu.memory_space<vmem>>
          %dma_start3A_173 = tpu.memref_squeeze %dma_start3A_172 : memref<1x16x1024xf32, #tpu.memory_space<vmem>> -> memref<16x1024xf32, #tpu.memory_space<vmem>>
          %dma_start3A_174 = arith.constant 0 : i32
          %dma_start3A_175 = tpu.memref_slice %arg3[%mul3A_163, %dma_start3A_174] : memref<416x1024xf32, #tpu.memory_space<hbm>> -> memref<16x1024xf32, #tpu.memory_space<hbm>>
          tpu.enqueue_dma source(%dma_start3A_175 : memref<16x1024xf32, #tpu.memory_space<hbm>>) target(%dma_start3A_173 : memref<16x1024xf32, #tpu.memory_space<vmem>>) target_semaphore(%arg7 : memref<!tpu.dma_semaphore, #tpu.memory_space<semaphore_mem>>)
        } else {
        }
      } else {
      }
      %ge3A_99 = arith.constant 0 : i32
      %ge3A_100 = arith.cmpi sge, %sub3A_88, %ge3A_99 : i32
      %lt3A_101 = arith.constant 2548 : i32
      %lt3A_102 = arith.cmpi slt, %sub3A_88, %lt3A_101 : i32
      %and3A_103 = arith.andi %ge3A_100, %lt3A_102 : i1
      %convert_element_type3A_104 = arith.extui %and3A_103 : i1 to i32
      %cond3A_105 = arith.constant 0 : i32
      %cond3A_106 = arith.cmpi ne, %convert_element_type3A_104, %cond3A_105 : i32
      scf.if %cond3A_106 {
        %jit3A_112 = arith.constant 98 : i32
        %div3A_113 = arith.divsi %sub3A_88, %jit3A_112 : i32
        %sign3A_114 = arith.constant 0 : i32
        %sign3A_115 = arith.cmpi sgt, %sub3A_88, %sign3A_114 : i32
        %sign3A_116 = arith.extui %sign3A_115 : i1 to i32
        %sign3A_117 = arith.constant 0 : i32
        %sign3A_118 = arith.cmpi slt, %sub3A_88, %sign3A_117 : i32
        %sign3A_119 = arith.extui %sign3A_118 : i1 to i32
        %sign3A_120 = arith.subi %sign3A_116, %sign3A_119 : i32
        %sign3A_121 = arith.constant 0 : i32
        %sign3A_122 = arith.cmpi sgt, %jit3A_112, %sign3A_121 : i32
        %sign3A_123 = arith.extui %sign3A_122 : i1 to i32
        %sign3A_124 = arith.constant 0 : i32
        %sign3A_125 = arith.cmpi slt, %jit3A_112, %sign3A_124 : i32
        %sign3A_126 = arith.extui %sign3A_125 : i1 to i32
        %sign3A_127 = arith.subi %sign3A_123, %sign3A_126 : i32
        %ne3A_128 = arith.cmpi ne, %sign3A_120, %sign3A_127 : i32
        %rem3A_129 = arith.remsi %sub3A_88, %jit3A_112 : i32
        %ne3A_130 = arith.constant 0 : i32
        %ne3A_131 = arith.cmpi ne, %rem3A_129, %ne3A_130 : i32
        %and3A_132 = arith.andi %ne3A_128, %ne3A_131 : i1
        %sub3A_133 = arith.constant 1 : i32
        %sub3A_134 = arith.subi %div3A_113, %sub3A_133 : i32
        %select_n3A_135 = arith.select %and3A_132, %sub3A_134, %div3A_113 : i32
        %mul3A_136 = arith.constant 100352 : i32
        %mul3A_137 = arith.muli %select_n3A_135, %mul3A_136 : i32
        %jit3A_138 = arith.constant 98 : i32
        %eq3A_139 = arith.constant 0 : i32
        %eq3A_140 = arith.cmpi eq, %jit3A_138, %eq3A_139 : i32
        %jit3A_141 = arith.constant 1 : i32
        %select_n3A_142 = arith.select %eq3A_140, %jit3A_141, %jit3A_138 : i32
        %rem3A_143 = arith.remsi %sub3A_88, %select_n3A_142 : i32
        %ne3A_144 = arith.constant 0 : i32
        %ne3A_145 = arith.cmpi ne, %rem3A_143, %ne3A_144 : i32
        %lt3A_146 = arith.constant 0 : i32
        %lt3A_147 = arith.cmpi slt, %rem3A_143, %lt3A_146 : i32
        %lt3A_148 = arith.constant 0 : i32
        %lt3A_149 = arith.cmpi slt, %select_n3A_142, %lt3A_148 : i32
        %ne3A_150 = arith.xori %lt3A_147, %lt3A_149 : i1
        %and3A_151 = arith.andi %ne3A_150, %ne3A_145 : i1
        %add3A_152 = arith.addi %rem3A_143, %select_n3A_142 : i32
        %select_n3A_153 = arith.select %and3A_151, %add3A_152, %rem3A_143 : i32
        %mul3A_154 = arith.constant 1024 : i32
        %mul3A_155 = arith.muli %select_n3A_153, %mul3A_154 : i32
        %add3A_156 = arith.addi %mul3A_137, %mul3A_155 : i32
        %mul3A_157 = arith.constant 16 : i32
        %mul3A_158 = arith.muli %add3A_156, %mul3A_157 : i32
        %dma_wait3A = arith.constant 1 : i32
        %dma_wait3A_159 = arith.constant 0 : i32
        %dma_wait3A_160 = tpu.memref_slice %arg6[%dma_wait3A, %dma_wait3A_159] : memref<2x16384xf32, #tpu.memory_space<vmem>> -> memref<1x16384xf32, #tpu.memory_space<vmem>>
        %dma_wait3A_161 = tpu.memref_squeeze %dma_wait3A_160 : memref<1x16384xf32, #tpu.memory_space<vmem>> -> memref<16384xf32, #tpu.memory_space<vmem>>
        %dma_wait3A_162 = tpu.memref_slice %arg4[%mul3A_158] : memref<41746432xf32, #tpu.memory_space<hbm>> -> memref<16384xf32, #tpu.memory_space<hbm>>
        %dma_wait3A_163 = tpu.memref_slice %arg4[%mul3A_158] : memref<41746432xf32, #tpu.memory_space<hbm>> -> memref<16384xf32, #tpu.memory_space<hbm>>
        %dma_wait3A_164 = arith.constant 0 : i32
        %dma_wait3A_165 = tpu.memref_slice %arg6[%dma_wait3A, %dma_wait3A_164] : memref<2x16384xf32, #tpu.memory_space<vmem>> -> memref<1x16384xf32, #tpu.memory_space<vmem>>
        %dma_wait3A_166 = tpu.memref_squeeze %dma_wait3A_165 : memref<1x16384xf32, #tpu.memory_space<vmem>> -> memref<16384xf32, #tpu.memory_space<vmem>>
        tpu.wait_dma2 semaphore(%arg9 : memref<!tpu.dma_semaphore, #tpu.memory_space<semaphore_mem>>) src(%dma_wait3A_166 : memref<16384xf32, #tpu.memory_space<vmem>>) dst(%dma_wait3A_163 : memref<16384xf32, #tpu.memory_space<hbm>>)
      } else {
      }
      %lt3A_107 = arith.constant 2548 : i32
      %lt3A_108 = arith.cmpi slt, %add3A_84, %lt3A_107 : i32
      %convert_element_type3A_109 = arith.extui %lt3A_108 : i1 to i32
      %cond3A_110 = arith.constant 0 : i32
      %cond3A_111 = arith.cmpi ne, %convert_element_type3A_109, %cond3A_110 : i32
      scf.if %cond3A_111 {
        %broadcast_in_dim3A = arith.constant 0 : i32
        %broadcast_in_dim3A_112 = vector.broadcast %broadcast_in_dim3A : i32 to vector<16xi32>
        %parallel_loop3A = arith.constant 0 : i32
        %parallel_loop3A_113 = arith.constant 1024 : i32
        %parallel_loop3A_114 = arith.constant 1 : i32
        %parallel_loop3A_115 = scf.for %parallel_loop3A_171 = %parallel_loop3A to %parallel_loop3A_113 step %parallel_loop3A_114 iter_args(%parallel_loop3A_172 = %broadcast_in_dim3A_112) -> (vector<16xi32>)  : i32 {
          %parallel_loop3A_173 = arith.constant 1 : i32
          %parallel_loop3A_174 = arith.constant 0 : i32
          %parallel_loop3A_175 = arith.constant 0 : i32
          %parallel_loop3A_176 = tpu.memref_slice %arg5[%parallel_loop3A_173, %parallel_loop3A_174, %parallel_loop3A_175] : memref<2x16x1024xf32, #tpu.memory_space<vmem>> -> memref<1x16x1024xf32, #tpu.memory_space<vmem>>
          %parallel_loop3A_177 = tpu.memref_squeeze %parallel_loop3A_176 : memref<1x16x1024xf32, #tpu.memory_space<vmem>> -> memref<16x1024xf32, #tpu.memory_space<vmem>>
          %parallel_loop3A_178 = tpu.vector_load_idx %parallel_loop3A_177[%iota3A, %parallel_loop3A_172] : memref<16x1024xf32, #tpu.memory_space<vmem>>[vector<16xi32>, vector<16xi32>], vector<16xf32>,
          %parallel_loop3A_179 = arith.constant 16 : i32
          %parallel_loop3A_180 = arith.muli %parallel_loop3A_171, %parallel_loop3A_179 : i32
          %parallel_loop3A_181 = arith.constant 1 : i32
          %parallel_loop3A_182 = arith.index_cast %parallel_loop3A_181 : i32 to index
          %parallel_loop3A_183 = arith.index_cast %parallel_loop3A_180 : i32 to index
          %parallel_loop3A_184 = tpu.vector_load %arg6[%parallel_loop3A_182, %parallel_loop3A_183] {strides = array<i32>} : memref<2x16384xf32, #tpu.memory_space<vmem>>, vector<16xf32>,
          tpu.vector_store %arg6[%parallel_loop3A_182, %parallel_loop3A_183], %parallel_loop3A_178 {strides = array<i32>} : memref<2x16384xf32, #tpu.memory_space<vmem>>, vector<16xf32>,
          %parallel_loop3A_185 = arith.constant 1 : i32
          %parallel_loop3A_186 = vector.broadcast %parallel_loop3A_185 : i32 to vector<16xi32>
          %parallel_loop3A_187 = arith.addi %parallel_loop3A_172, %parallel_loop3A_186 : vector<16xi32>
          scf.yield %parallel_loop3A_187 : vector<16xi32>
        } {sc.loop_unroll_factor = 8 : i64, sc.parallel_access}
        %jit3A_116 = arith.constant 98 : i32
        %div3A_117 = arith.divsi %add3A_84, %jit3A_116 : i32
        %sign3A_118 = arith.constant 0 : i32
        %sign3A_119 = arith.cmpi sgt, %add3A_84, %sign3A_118 : i32
        %sign3A_120 = arith.extui %sign3A_119 : i1 to i32
        %sign3A_121 = arith.constant 0 : i32
        %sign3A_122 = arith.cmpi slt, %add3A_84, %sign3A_121 : i32
        %sign3A_123 = arith.extui %sign3A_122 : i1 to i32
        %sign3A_124 = arith.subi %sign3A_120, %sign3A_123 : i32
        %sign3A_125 = arith.constant 0 : i32
        %sign3A_126 = arith.cmpi sgt, %jit3A_116, %sign3A_125 : i32
        %sign3A_127 = arith.extui %sign3A_126 : i1 to i32
        %sign3A_128 = arith.constant 0 : i32
        %sign3A_129 = arith.cmpi slt, %jit3A_116, %sign3A_128 : i32
        %sign3A_130 = arith.extui %sign3A_129 : i1 to i32
        %sign3A_131 = arith.subi %sign3A_127, %sign3A_130 : i32
        %ne3A_132 = arith.cmpi ne, %sign3A_124, %sign3A_131 : i32
        %rem3A_133 = arith.remsi %add3A_84, %jit3A_116 : i32
        %ne3A_134 = arith.constant 0 : i32
        %ne3A_135 = arith.cmpi ne, %rem3A_133, %ne3A_134 : i32
        %and3A_136 = arith.andi %ne3A_132, %ne3A_135 : i1
        %sub3A_137 = arith.constant 1 : i32
        %sub3A_138 = arith.subi %div3A_117, %sub3A_137 : i32
        %select_n3A_139 = arith.select %and3A_136, %sub3A_138, %div3A_117 : i32
        %mul3A_140 = arith.constant 100352 : i32
        %mul3A_141 = arith.muli %select_n3A_139, %mul3A_140 : i32
        %jit3A_142 = arith.constant 98 : i32
        %eq3A_143 = arith.constant 0 : i32
        %eq3A_144 = arith.cmpi eq, %jit3A_142, %eq3A_143 : i32
        %jit3A_145 = arith.constant 1 : i32
        %select_n3A_146 = arith.select %eq3A_144, %jit3A_145, %jit3A_142 : i32
        %rem3A_147 = arith.remsi %add3A_84, %select_n3A_146 : i32
        %ne3A_148 = arith.constant 0 : i32
        %ne3A_149 = arith.cmpi ne, %rem3A_147, %ne3A_148 : i32
        %lt3A_150 = arith.constant 0 : i32
        %lt3A_151 = arith.cmpi slt, %rem3A_147, %lt3A_150 : i32
        %lt3A_152 = arith.constant 0 : i32
        %lt3A_153 = arith.cmpi slt, %select_n3A_146, %lt3A_152 : i32
        %ne3A_154 = arith.xori %lt3A_151, %lt3A_153 : i1
        %and3A_155 = arith.andi %ne3A_154, %ne3A_149 : i1
        %add3A_156 = arith.addi %rem3A_147, %select_n3A_146 : i32
        %select_n3A_157 = arith.select %and3A_155, %add3A_156, %rem3A_147 : i32
        %mul3A_158 = arith.constant 1024 : i32
        %mul3A_159 = arith.muli %select_n3A_157, %mul3A_158 : i32
        %add3A_160 = arith.addi %mul3A_141, %mul3A_159 : i32
        %mul3A_161 = arith.constant 16 : i32
        %mul3A_162 = arith.muli %add3A_160, %mul3A_161 : i32
        %dma_start3A = arith.constant 1 : i32
        %dma_start3A_163 = arith.constant 0 : i32
        %dma_start3A_164 = tpu.memref_slice %arg6[%dma_start3A, %dma_start3A_163] : memref<2x16384xf32, #tpu.memory_space<vmem>> -> memref<1x16384xf32, #tpu.memory_space<vmem>>
        %dma_start3A_165 = tpu.memref_squeeze %dma_start3A_164 : memref<1x16384xf32, #tpu.memory_space<vmem>> -> memref<16384xf32, #tpu.memory_space<vmem>>
        %dma_start3A_166 = tpu.memref_slice %arg4[%mul3A_162] : memref<41746432xf32, #tpu.memory_space<hbm>> -> memref<16384xf32, #tpu.memory_space<hbm>>
        %dma_start3A_167 = tpu.memref_slice %arg4[%mul3A_162] : memref<41746432xf32, #tpu.memory_space<hbm>> -> memref<16384xf32, #tpu.memory_space<hbm>>
        %dma_start3A_168 = arith.constant 0 : i32
        %dma_start3A_169 = tpu.memref_slice %arg6[%dma_start3A, %dma_start3A_168] : memref<2x16384xf32, #tpu.memory_space<vmem>> -> memref<1x16384xf32, #tpu.memory_space<vmem>>
        %dma_start3A_170 = tpu.memref_squeeze %dma_start3A_169 : memref<1x16384xf32, #tpu.memory_space<vmem>> -> memref<16384xf32, #tpu.memory_space<vmem>>
        tpu.enqueue_dma source(%dma_start3A_170 : memref<16384xf32, #tpu.memory_space<vmem>>) target(%dma_start3A_167 : memref<16384xf32, #tpu.memory_space<hbm>>) target_semaphore(%arg9 : memref<!tpu.dma_semaphore, #tpu.memory_space<semaphore_mem>>)
      } else {
      }
    }
    %scan3A_43 = arith.constant 41 : i32
    return
  }
}

</mosaic_0001>

<sc_bundles>
// kernel: _sc_transpose.3.cloned.1.call-start
scs
__scs_entry_jumppad:
0x0: {  	(pc) =	sbr.rel $0x88, $3  }
0x1: {  	(tag) =	ssettag $0x0;
	lr =	simm.s32 $0x1  }
0x2: {  	[smem:$0x3F9F] =	sst lr;
	_ =	strace $0xD0000000  }
0x3: {  	_ = 	snop  }
0x4: {  	_ = 	snop  }
0x5: {  	_ = 	snop  }
0x6: {  	_ = 	snop  }
0x7: {  	_ = 	snop  }
__scs_overlays_trampoline_lowered:
0x8: {  	[smem:$0x3FAE] =	sst s0  }
0x9: {  	[smem:$0x3FAF] =	sst s1  }
0xa: {  	[smem:$0x3FB0] =	sst s2  }
0xb: {  	[smem:$0x3FB1] =	sst s3  }
0xc: {  	[smem:$0x3FB2] =	sst s4  }
0xd: {  	[smem:$0x3FB3] =	sst s5  }
0xe: {  	[smem:$0x3FB4] =	sst s6  }
0xf: {  	[smem:$0x3FB5] =	sst s7  }
0x10: {  	[smem:$0x3FB6] =	sst s8  }
0x11: {  	[smem:$0x3FB7] =	sst s9;
	s0 =	simm.s32 @!p0 $0x0  }
0x12: {  	s1 =	sld [smem:$0x3F9D];
	s0 =	simm.s32 @p0 $0x1  }
0x13: {  	[smem:$0x3FB8] =	sst s0;
	s0 =	simm.s32 @!p1 $0x0  }
0x14: {  	s2 =	sld [smem:$0x3F9C];
	s0 =	simm.s32 @p1 $0x1  }
0x15: {  	[smem:$0x3FB9] =	sst s0;
	s0 =	simm.s32 @!p2 $0x0  }
0x16: {  	s3 =	sld [smem:$0x3FDB];
	s0 =	simm.s32 @p2 $0x1  }
0x17: {  	s4 =	simm.s32 $0x1BF5;
	[smem:$0x3FBB] =	sst s0  }
0x18: {  	s0 =	sld [smem:$0x3F9E];
	_ =	swait.ge [sflag:s4], $0x0  }
0x19: {  	s7 =	sld [smem:$0x3F9F]  }
0x1a: {  	s8 =	sadd.s32 $0xFFFFE003, lr  }
0x1b: {  	s9 =	sadd.s32 $0xFFFFFEF7, lr;
	s5 =	simm.s32 $0xFFFFFFFF;
	p2 =	slt.u32 s8, $0xFFFFF086  }
0x1c: {  	p1 =	slt.u32 s9, $0xF7A;
	s5 =	simm.s32 @!p2 $0x0  }
0x1d: {  	s5 =	simm.s32 @p1 $0x1;
	p0 =	seq.s32 s7, s2  }
0x1e: {  	s7 =	smul.u32 @!p0 $0xF7A, s2;
	p2 =	seq.s32 @!p0 s5, $0x0  }
0x1f: {  	s9 =	smul.u32 $0xF7A, s1;
	s8 =	simm.s32 @!p0 $0x1BF5;
	p2 =	por !p2, p0  }
0x20: {  	[sflag:s8] =	ssyncset.s32 @!p0 $0xFFFFF086;
	s6 =	sadd.s32 @!p0 s3, s7;
	s7 =	simm.s32 @!p0 $0x108  }
0x21: {  	s3 =	sadd.s32 s3, s9;
	s6 =	sadd.s32 @!p0 $0x88, s6;
	s7 =	simm.s32 @p2 $0x1082  }
0x22: {  	[simem:s7], [sflag:s8] =	dma.local @!p0 [hbm:s6], $0xF7A  }
0x23: {  	s9 =	sor.u32 $0xD0000000, s2;
	s6 =	simm.s32 $0x108;
	_ =	swait.ge @!p0 [sflag:s8], $0x0  }
0x24: {  	s3 =	sadd.s32 $0x88, s3;
	s6 =	simm.s32 @!p1 $0x1082;
	[sflag:s4] =	ssyncset.s32 $0xFFFFF086  }
0x25: {  	[simem:s6], [sflag:s4] =	dma.local [hbm:s3], $0xF7A  }
0x26: {  	[smem:$0x3F9F] =	sst s1;
	(tag) =	ssettag s2;
	_ =	strace s9  }
0x27: {  	s1 =	sld [smem:$0x3FAF]  }
0x28: {  	s2 =	sld [smem:$0x3FB0]  }
0x29: {  	s4 =	sld [smem:$0x3FB2]  }
0x2a: {  	p0 =	seq.s32 s5, $0x0;
	s5 =	sld [smem:$0x3FB3]  }
0x2b: {  	s6 =	sld [smem:$0x3FB4]  }
0x2c: {  	s7 =	sld [smem:$0x3FB5]  }
0x2d: {  	s3 =	simm.s32 $0x108;
	s8 =	sld [smem:$0x3FB6]  }
0x2e: {  	s3 =	simm.s32 @!p0 $0x1082;
	s9 =	sld [smem:$0x3FB7]  }
0x2f: {  	lr =	sadd.s32 s0, s3;
	s0 =	sld [smem:$0x3FAE]  }
0x30: {  	s3 =	sld [smem:$0x3FB1]  }
0x31: {  	[smem:$0x3FBA] =	sst s10  }
0x32: {  	s10 =	sld [smem:$0x3FB8];
	_ =	sdelay $0x3  }
0x33: {  	p0 =	seq.s32 s10, $0x1;
	s10 =	sld [smem:$0x3FBA];
	_ =	sdelay $0x3  }
0x34: {  	[smem:$0x3FBA] =	sst s10  }
0x35: {  	s10 =	sld [smem:$0x3FB9];
	_ =	sdelay $0x3  }
0x36: {  	p1 =	seq.s32 s10, $0x1;
	s10 =	sld [smem:$0x3FBA];
	_ =	sdelay $0x3  }
0x37: {  	[smem:$0x3FBA] =	sst s10  }
0x38: {  	s10 =	sld [smem:$0x3FBB]  }
0x39: {  	_ = 	snop;
	(pc) =	sbr.ind lr, $3  }
0x3a: {  	_ = 	snop  }
0x3b: {  	_ = 	snop  }
0x3c: {  	p2 =	seq.s32 s10, $0x1;
	s10 =	sld [smem:$0x3FBA]  }
0x3d: {  	_ =	shalt  }
0x3e: {  	_ =	shalt  }
0x3f: {  	_ =	shalt  }
0x40: {  	_ =	shalt  }
0x41: {  	_ =	shalt  }
0x42: {  	_ =	shalt  }
0x43: {  	_ =	shalt  }
0x44: {  	_ =	shalt  }
0x45: {  	_ =	shalt  }
0x46: {  	_ =	shalt  }
0x47: {  	_ =	shalt  }
0x48: {  	_ =	shalt  }
0x49: {  	_ =	shalt  }
0x4a: {  	_ =	shalt  }
0x4b: {  	_ =	shalt  }
0x4c: {  	_ =	shalt  }
0x4d: {  	_ =	shalt  }
0x4e: {  	_ =	shalt  }
0x4f: {  	_ =	shalt  }
0x50: {  	_ =	shalt  }
0x51: {  	_ =	shalt  }
0x52: {  	_ =	shalt  }
0x53: {  	_ =	shalt  }
0x54: {  	_ =	shalt  }
0x55: {  	_ =	shalt  }
0x56: {  	_ =	shalt  }
0x57: {  	_ =	shalt  }
0x58: {  	_ =	shalt  }
0x59: {  	_ =	shalt  }
0x5a: {  	_ =	shalt  }
0x5b: {  	_ =	shalt  }
0x5c: {  	_ =	shalt  }
0x5d: {  	_ =	shalt  }
0x5e: {  	_ =	shalt  }
0x5f: {  	_ =	shalt  }
0x60: {  	_ =	shalt  }
0x61: {  	_ =	shalt  }
0x62: {  	_ =	shalt  }
0x63: {  	_ =	shalt  }
0x64: {  	_ =	shalt  }
0x65: {  	_ =	shalt  }
0x66: {  	_ =	shalt  }
0x67: {  	_ =	shalt  }
0x68: {  	_ =	shalt  }
0x69: {  	_ =	shalt  }
0x6a: {  	_ =	shalt  }
0x6b: {  	_ =	shalt  }
0x6c: {  	_ =	shalt  }
0x6d: {  	_ =	shalt  }
0x6e: {  	_ =	shalt  }
0x6f: {  	_ =	shalt  }
0x70: {  	_ =	shalt  }
0x71: {  	_ =	shalt  }
0x72: {  	_ =	shalt  }
0x73: {  	_ =	shalt  }
0x74: {  	_ =	shalt  }
0x75: {  	_ =	shalt  }
0x76: {  	_ =	shalt  }
0x77: {  	_ =	shalt  }
0x78: {  	_ =	shalt  }
0x79: {  	_ =	shalt  }
0x7a: {  	_ =	shalt  }
0x7b: {  	_ =	shalt  }
0x7c: {  	_ =	shalt  }
0x7d: {  	_ =	shalt  }
0x7e: {  	_ =	shalt  }
0x7f: {  	_ =	shalt  }
0x80: {  	_ =	shalt  }
0x81: {  	_ =	shalt  }
0x82: {  	_ =	shalt  }
0x83: {  	_ =	shalt  }
0x84: {  	_ =	shalt  }
0x85: {  	_ =	shalt  }
0x86: {  	_ =	shalt  }
0x87: {  	_ =	shalt  }
.Lfunc_end0:
.L_simem_size_0:
called_computation_lowered:
.L_overlay_start_0:
0x88: {  	s2 =	sld [smem:$0x3FD9]  }
0x89: {  	s3 =	sld [smem:$0x3FFE];
	_ =	sdelay $0x1  }
0x8a: {  	s1 =	srdreg.scid  }
0x8b: {  	s0 =	sand.u32 $0x1, s1  }
0x8c: {  	s18 =	sshll.u32 s0, $0xA;
	s2 =	sadd.s32 s3, s2  }
0x8d: {  	s2 =	sadd.s32 s2, s18  }
0x8e: {  	[smem:$0x3FC6] =	sst s2  }
0x8f: {  	_ = 	snop  }
0x90: {  	s2 =	sld [smem:$0x3FC9]  }
0x91: {  	s19 =	sld [smem:$0x3FC8]  }
0x92: {  	s4 =	sld [smem:$0x3FD0];
	(tm) =	ssettm $0x1  }
0x93: {  	s5 =	sld [smem:$0x3FFB];
	_ =	sdelay $0x3  }
0x94: {  	_ =	strace s5  }
0x95: {  	s5 =	sld [smem:$0x3FFC];
	_ =	sdelay $0x3  }
0x96: {  	_ =	strace s5  }
0x97: {  	s5 =	sld [smem:$0x3FFD];
	_ =	sdelay $0x3  }
0x98: {  	_ =	strace s5  }
0x99: {  	_ =	strace $0x8FFFFFFF  }
0x9a: {  	s20 =	sld [smem:$0x3FDB];
	_ =	sdelay $0x1  }
0x9b: {  	s6 =	simm.s32 $_scs_section_size  }
0x9c: {  	s7 =	simm.s32 $_size__tile_overlayer_lowered;
	s8 =	simm.s32 $_tile_overlayer_lowered  }
0x9d: {  	s23 =	simm.s32 $0x1BFF;
	s22 =	sshll.u32 s8, $0x1;
	s5 =	sadd.s32 s6, s20  }
0x9e: {  	s9 =	simm.s32 $0x0;
	s21 =	sshll.u32 s7, $0x1;
	s7 =	sadd.s32 s22, s5  }
0x9f: {  	[timem:s9], [sflag:s23] =	dma.local [hbm:s7], s21  }
0xa0: {  	_ =	swait.ge [sflag:s23], s21  }
0xa1: {  	s6 =	ssub.s32 $0x0, s21;
	[sflag:s23] =	ssyncset.done $0x0  }
0xa2: {  	[sflag:s23] =	ssyncadd.s32 s6;
	_ =	sdelay $0x1  }
0xa3: {  	s24 =	simm.s32 $0x1B8B  }
0xa4: {  	_ =	swait.ge [sflag:s24], $0x1  }
0xa5: {  	[sflag:s24] =	ssyncset.done $0x0  }
0xa6: {  	s25 =	simm.s32 $0x1B8E;
	[sflag:s24] =	ssyncadd.s32 $0xFFFFFFFF  }
0xa7: {  	s26 =	simm.s32 $execute0_lowered;
	[smem:$0x3FD2] =	sst s25  }
0xa8: {  	s6 =	sshll.u32 s26, $0x1;
	_ =	strace $0x80000046;
	[dreg:$0x1] =	wrdreg $0xFFFFFFFF  }
0xa9: {  	s28 =	simm.s32 $_size_execute0_lowered;
	s5 =	sadd.s32 s5, s6;
	[dreg:$0x0] =	wrdreg $0x0  }
0xaa: {  	s6 =	sshll.u32 s28, $0x1;
	[dreg:$0x2] =	wrdreg s5  }
0xab: {  	[dreg:$0x3] =	wrdreg s6  }
0xac: {  	[dreg:$0x4] =	wrdreg $0xC0  }
0xad: {  	_ =	task [dreg:s9], $0x5FFFF  }
0xae: {  	[dreg:$0x1] =	wrdreg $0xFFFFFFFF  }
0xaf: {  	[dreg:$0x0] =	wrdreg $0x60  }
0xb0: {  	[dreg:$0x2] =	wrdreg s2  }
0xb1: {  	[dreg:$0x3] =	wrdreg s19  }
0xb2: {  	[dreg:$0x4] =	wrdreg s4  }
0xb3: {  	[dreg:$0x5] =	wrdreg $0x9  }
0xb4: {  	_ =	task.clear_ibuf [dreg:s9], $0x6FFFF;
	_ =	strace $0x90000046  }
0xb5: {  	s29 =	simm.s32 $0x9;
	_ =	strace $0x80000048  }
0xb6: {  	_ =	swait.ge [sflag:s29], $0x1  }
0xb7: {  	[sflag:s29] =	ssyncadd.s32 $0xFFFFFFFF  }
0xb8: {  	_ =	strace $0x90000048  }
0xb9: {  	_ =	sfence  }
0xba: {  	s30 =	sld [smem:$0x0];
	_ =	sdelay $0x2  }
0xbb: {  	s31 =	sshll.u32 s1, $0xD;
	s1 =	sshrl.u32 s1, $0x2  }
0xbc: {  	s3 =	sand.u32 $0x4000, s31;
	s1 =	sadd.s32 s1, s30  }
0xbd: {  	s0 =	sor.u32 s3, s0;
	s1 =	sshll.u32 s1, $0x11  }
0xbe: {  	s0 =	sor.u32 s1, s0  }
0xbf: {  	s0 =	sadd.s32 $0x8F2B, s0  }
0xc0: {  	[sflag:s0] =	ssyncadd.remote.s32 $0x1  }
0xc1: {  	_ =	sfence.sel $0xFFFF  }
0xc2: {  	[dreg:$0x0] =	wrdreg $0xFFFFFFFF;
	(pc) =	sbr.abs _section_cstart, $3  }
0xc3: {  	[dreg:$0x1] =	wrdreg $0xFFFFFFFF  }
0xc4: {  	_ =	task.clear_ibuf [dreg:s9], $0x2FFFF;
	_ =	strace $0x9FFFFFFF  }
0xc5: {  	(tm) =	ssettm $0x7FFFFFFF  }
tec
execute0_lowered:
.L_overlay_start_1:
0x0: {  	(tag) =	ssettag $0x1  }
0x1: {  	v0 =	vimm.s32 $0x2380;
	vm0 =	vcmask $0x300;
	v1 =	vimm.s32 $0x2383  }
0x2: {  	vm1 =	vcmask $0x704;
	v0 =	vsel vm0, $0x0, v0;
	v1 =	vsel vm0, $0x3, v1  }
0x3: {  	vm15 =	vcmask $0xB08;
	v0 =	vsel vm1, $0x80, v0;
	v1 =	vsel vm1, $0x83, v1  }
0x4: {  	vm4 =	vcmask $0xF0C;
	v0 =	vsel vm15, $0x100, v0;
	v1 =	vsel vm15, $0x103, v1  }
0x5: {  	vm5 =	vcmask $0x1310;
	v0 =	vsel vm4, $0x180, v0;
	v1 =	vsel vm4, $0x183, v1  }
0x6: {  	vm6 =	vcmask $0x1714;
	v0 =	vsel vm5, $0x200, v0;
	v1 =	vsel vm5, $0x203, v1  }
0x7: {  	vm7 =	vcmask $0x1B18;
	s0 =	rddreg [dreg:$0x0];
	v0 =	vsel vm6, $0x280, v0;
	v1 =	vsel vm6, $0x283, v1  }
0x8: {  	vm8 =	vcmask $0x1F1C;
	s1 =	rddreg [dreg:$0x1];
	v0 =	vsel vm7, $0x300, v0;
	v1 =	vsel vm7, $0x303, v1  }
0x9: {  	s3 =	srdreg.scid;
	vm9 =	vcmask $0x2320;
	s4 =	rddreg [dreg:$0x2];
	v0 =	vsel vm8, $0x380, v0;
	v1 =	vsel vm8, $0x383, v1  }
0xa: {  	s2 =	stileid.u32;
	vm10 =	vcmask $0x2724;
	s5 =	simm.s32 $0x0;
	s10 =	simm.s32 $0xC3800;
	v0 =	vsel vm9, $0x2000, v0;
	v1 =	vsel vm9, $0x2003, v1  }
0xb: {  	vm11 =	vcmask $0x2B28;
	s11 =	simm.s32 $0x1;
	s12 =	simm.s32 $0x3;
	s13 =	simm.s32 $0x4000;
	v0 =	vsel vm10, $0x2080, v0;
	v1 =	vsel vm10, $0x2083, v1  }
.Ltmp0:
0xc: {  	vm12 =	vcmask $0x2F2C;
	s14 =	simm.s32 $0x0;
	s6 =	sand.u32 $0x1, s3;
	v0 =	vsel vm11, $0x2100, v0;
	v1 =	vsel vm11, $0x2103, v1;
	(pc) =	sbr.rel .LBB2_1-.Ltmp0, $4  }
0xd: {  	vm13 =	vcmask $0x3330;
	s3 =	rddreg [dreg:$0x3];
	s8 =	sshll.u32 s2, $0x1;
	s7 =	ssub.s32 $0x2, s6;
	v0 =	vsel vm12, $0x2180, v0;
	v1 =	vsel vm12, $0x2183, v1  }
0xe: {  	vm14 =	vcmask $0x3734;
	[smem:$0x7FF] =	sst s5;
	s6 =	sor.u32 s6, s8;
	s9 =	sshrl.u32 s7, $0x1;
	v0 =	vsel vm13, $0x2200, v0;
	v1 =	vsel vm13, $0x2203, v1  }
0xf: {  	_ =	strace $0x80000047;
	s31 =	sshll.u32 s6, $0xA;
	vm15 =	vcmask $0x3B38;
	s30 =	ssub.s32 s7, s9;
	v0 =	vsel vm14, $0x2280, v0;
	v1 =	vsel vm14, $0x2283, v1  }
0x10: {  	s7 =	sadd.s32 s0, s31;
	s9 =	simm.s32 $0x2000;
	s8 =	smax.u32 s30, $0x1;
	v0 =	vsel vm15, $0x2300, v0;
	v1 =	vsel vm15, $0x2303, v1  }
.LBB2_20:
0x11: {  	s14 =	sadd.s32 $0x1, s14  }
0x12: {  	p0 =	sne.s32 s14, s8  }
.Ltmp1:
0x13: {  	_ = 	snop;
	(pc) =	sbr.rel @!p0 .LBB2_21-.Ltmp1, $1  }
0x14: {  	_ =	sdelay $0x3  }
.LBB2_1:
.Ltmp2:
0x15: {  	(pc) =	sbr.rel .LBB2_2-.Ltmp2, $3  }
0x16: {  	_ =	sdelay $0x1  }
0x17: {  	[tilespmem:s5], [sflag:$0x1] =	stream.strided.gather [hbm4b:s7+s9], $0x4000, s10, s9, $0x38;
	[tilespmem:$0x10000] =	vst v63  }
0x18: {  	s15 =	simm.s32 $0x0  }
.LBB2_19:
0x19: {  	s15 =	sadd.s32 $0x1, s15  }
0x1a: {  	p0 =	sne.s32 s15, $0x29  }
.Ltmp3:
0x1b: {  	_ = 	snop;
	(pc) =	sbr.rel @!p0 .LBB2_20-.Ltmp3, $1  }
0x1c: {  	_ =	sdelay $0x3  }
.LBB2_2:
0x1d: {  	s16 =	sshll.u32 s15, $0x6  }
0x1e: {  	s17 =	sor.u32 s6, s16  }
0x1f: {  	s16 =	sor.u32 $0x20, s17;
	p1 =	sgt.u32 s17, $0x9F3  }
0x20: {  	p0 =	sgt.u32 @!p1 s16, $0x9F3  }
0x21: {  	p2 =	por p0, p1  }
0x22: {  	s18 =	sand.u32 @!p2 $0xFFFE, s16  }
0x23: {  	s18 =	sshrl.u32 @!p2 s18, $0x1  }
0x24: {  	s18 =	smul.u32 @!p2 $0xA73, s18;
	_ =	sdelay $0x1  }
0x25: {  	s18 =	sshrl.u32 @!p2 s18, $0x11  }
0x26: {  	s19 =	smul.u32 @!p2 $0x62, s18;
	_ =	sdelay $0x1  }
0x27: {  	s19 =	ssub.s32 @!p2 s16, s19  }
0x28: {  	s20 =	sand.u32 @!p2 $0xFFFF, s19  }
0x29: {  	s21 =	simm.s32 @!p1 $0x1;
	p2 =	sgt.u32 @!p2 s20, $0x60  }
0x2a: {  	_ =	swait.ge @!p1 [sflag:s21], $0x4000;
	p3 =	por @!p1 !p2, p0  }
0x2b: {  	[sflag:s21] =	ssyncset.done @!p1 $0x0;
	p0 =	por @!p1 p2, p0;
	p3 =	por p3, p1  }
0x2c: {  	[sflag:s21] =	ssyncadd.s32 @!p1 $0xFFFFC000;
	p0 =	por p0, p1;
	s20 =	sshll.u32 @!p3 s18, $0xB  }
0x2d: {  	s21 =	simm.s32 @!p3 $0x0;
	s22 =	simm.s32 @!p3 $0x4000;
	s19 =	sand.u32 @!p0 $0xFFFF, s19  }
0x2e: {  	s18 =	smul.u32 @!p0 $0x187000, s18;
	s20 =	sadd.s32 @!p3 s1, s20;
	s19 =	sshll.u32 @!p0 s19, $0xD  }
0x2f: {  	[tilespmem:s22], [sflag:$0x1] =	stream.linear.gather @!p3 [hbm4b:s20+s21], $0x4000, $0x38;
	[tilespmem:$0x10000] =	vst v63  }
0x30: {  	s18 =	sadd.s32 @!p0 s19, s18  }
0x31: {  	s31 =	sadd.s32 $0xFFFFFFC0, s17;
	s20 =	simm.s32 @!p0 $0x2000;
	s18 =	sshrl.u32 @!p0 s18, $0x3  }
0x32: {  	s21 =	simm.s32 @!p0 $0xC3800;
	s22 =	simm.s32 @!p0 $0x4000;
	s18 =	sadd.s32 @!p0 s0, s18  }
0x33: {  	[tilespmem:s22], [sflag:$0x1] =	stream.strided.gather @!p0 [hbm4b:s18+s20], $0x4000, s21, s20, $0x38;
	[tilespmem:$0x10000] =	vst v63  }
.Ltmp4:
0x34: {  	p0 =	sgt.u32 s31, $0x9F3;
	(pc) =	sbr.rel @p1 .LBB2_11-.Ltmp4, $4  }
0x35: {  	s18 =	simm.s32 @!p0 $0x2  }
0x36: {  	_ =	swait.ge @!p0 [sflag:s18], $0x4000  }
0x37: {  	[sflag:s18] =	ssyncset.done @!p0 $0x0  }
0x38: {  	[sflag:s18] =	ssyncadd.s32 @!p0 $0xFFFFC000;
	p0 =	por $0x0, $0x0  }
0x39: {  	v2 =	vimm.s32 $0x0  }
0x3a: {  	v3 =	vshll.u32 v2, $0x3  }
0x3b: {  	v4 =	vand.u32 $0x78, v2;
	v3 =	vand.u32 $0xFFFFFC00, v3  }
0x3c: {  	v4 =	vor.u32 v4, v3  }
0x3d: {  	v5 =	vadd.s32 v0, v4  }
0x3e: {  	v6 =	vor.u32 $0x7, v5  }
0x3f: {  	v7 =	vor.u32 $0x1, v5  }
0x40: {  	v8 =	vor.u32 $0x2, v5  }
0x41: {  	v16 =	vadd.s32 $0x8, v2;
	v11 =	vor.u32 $0x4, v5  }
0x42: {  	v2 =	vshll.u32 v16, $0x3;
	v14 =	vor.u32 $0x5, v5;
	v3 =	vld.idx.msk [tilespmem:v5+s5+$0x0], $0xffff  }
0x43: {  	v2 =	vand.u32 $0xFFFFFC00, v2;
	v19 =	vadd.s32 v1, v4;
	v4 =	vand.u32 $0x78, v16;
	v18 =	vld.idx.msk [tilespmem:v6+s5+$0x0], $0xffff  }
0x44: {  	v2 =	vor.u32 v4, v2;
	v5 =	vor.u32 $0x6, v5;
	v9 =	vld.idx.msk [tilespmem:v7+s5+$0x0], $0xffff  }
0x45: {  	v4 =	vadd.s32 v0, v2;
	v10 =	vld.idx.msk [tilespmem:v8+s5+$0x0], $0xffff  }
0x46: {  	v17 =	vor.u32 $0x7, v4;
	v13 =	vld.idx.msk [tilespmem:v11+s5+$0x0], $0xffff  }
0x47: {  	v12 =	vor.u32 $0x1, v4;
	v14 =	vld.idx.msk [tilespmem:v14+s5+$0x0], $0xffff  }
0x48: {  	s18 =	simm.s32 $0x8040;
	v16 =	vadd.s32 $0x8, v16;
	v2 =	vadd.s32 v1, v2;
	v8 =	vor.u32 $0x2, v4;
	v11 =	vld.idx.msk [tilespmem:v19+s5+$0x0], $0xffff  }
0x49: {  	s19 =	simm.s32 $0x8;
	v7 =	vor.u32 $0x4, v4;
	v6 =	vor.u32 $0x6, v4;
	v15 =	vld.idx.msk [tilespmem:v5+s5+$0x0], $0xffff;
	v5 =	vor.u32 $0x5, v4;
	[tilespmem:s18+$0x30] =	vst v18  }
.LBB2_4:
0x4a: {  	v18 =	vshll.u32 v16, $0x3;
	s19 =	sadd.s32 $0x8, s19;
	v19 =	vld.idx.msk [tilespmem:v4+s5+$0x0], $0xffff;
	[tilespmem:s18+$0xFFFFFFD0] =	vst v9  }
0x4b: {  	v4 =	vand.u32 $0x78, v16;
	v9 =	vand.u32 $0xFFFFFC00, v18;
	p1 =	slt.u32 s19, $0x3F8;
	v18 =	vld.idx.msk [tilespmem:v17+s5+$0x0], $0xffff;
	[tilespmem:s18+$0xFFFFFFE0] =	vst v10  }
0x4c: {  	v10 =	vor.u32 v4, v9;
	v9 =	vld.idx.msk [tilespmem:v12+s5+$0x0], $0xffff;
	[tilespmem:s18+$0x0] =	vst v13  }
.Ltmp5:
0x4d: {  	v4 =	vadd.s32 v0, v10;
	v20 =	vadd.s32 v1, v10;
	v10 =	vld.idx.msk [tilespmem:v8+s5+$0x0], $0xffff;
	[tilespmem:s18+$0x10] =	vst v14;
	(pc) =	sbr.rel @p1 .LBB2_4-.Ltmp5, $4  }
0x4e: {  	v12 =	vor.u32 $0x1, v4;
	v8 =	vor.u32 $0x2, v4;
	v17 =	vor.u32 $0x7, v4;
	v13 =	vld.idx.msk [tilespmem:v7+s5+$0x0], $0xffff;
	[tilespmem:s18+$0x20] =	vst v15  }
0x4f: {  	v7 =	vor.u32 $0x4, v4;
	v21 =	vor.u32 $0x6, v4;
	v14 =	vld.idx.msk [tilespmem:v5+s5+$0x0], $0xffff;
	v5 =	vor.u32 $0x5, v4;
	[tilespmem:s18+$0xFFFFFFC0] =	vst v3  }
0x50: {  	v3 =	vmov v19;
	v15 =	vld.idx.msk [tilespmem:v6+s5+$0x0], $0xffff;
	[tilespmem:s18+$0xFFFFFFF0] =	vst v11;
	s18 =	sadd.s32 $0x100, s18;
	v6 =	vmov v21  }
0x51: {  	v16 =	vadd.s32 $0x8, v16;
	v11 =	vld.idx.msk [tilespmem:v2+s5+$0x0], $0xffff;
	[tilespmem:s18+$0x30] =	vst v18;
	v2 =	vmov v20  }
0x52: {  	_ =	sdelay $0x1  }
0x53: {  	[tilespmem:s18+$0xFFFFFFD0] =	vst v9  }
0x54: {  	[tilespmem:s18+$0xFFFFFFE0] =	vst v10  }
0x55: {  	v61 =	vld.idx.msk [tilespmem:v17+s5+$0x0], $0xffff;
	[tilespmem:s18+$0xFFFFFFC0] =	vst v3  }
0x56: {  	v62 =	vld.idx.msk [tilespmem:v12+s5+$0x0], $0xffff;
	s19 =	sand.u32 $0xFFFE, s17;
	[tilespmem:s18+$0x0] =	vst v13  }
0x57: {  	v8 =	vld.idx.msk [tilespmem:v8+s5+$0x0], $0xffff;
	s19 =	sshrl.u32 s19, $0x1;
	[tilespmem:s18+$0x10] =	vst v14  }
0x58: {  	v7 =	vld.idx.msk [tilespmem:v7+s5+$0x0], $0xffff;
	s19 =	smul.u32 $0xA73, s19;
	[tilespmem:s18+$0x20] =	vst v15  }
0x59: {  	v3 =	vld.idx.msk [tilespmem:v5+s5+$0x0], $0xffff;
	s20 =	sadd.s32 $0x100, s18;
	[tilespmem:s18+$0xFFFFFFF0] =	vst v11  }
0x5a: {  	v63 =	vld.idx.msk [tilespmem:v6+s5+$0x0], $0xffff;
	s31 =	sshrl.u32 s19, $0x11;
	[tilespmem:s20+$0x30] =	vst v61  }
0x5b: {  	v4 =	vld.idx.msk [tilespmem:v4+s5+$0x0], $0xffff;
	[tilespmem:s20+$0xFFFFFFD0] =	vst v62;
	s19 =	smul.u32 $0x62, s31  }
0x5c: {  	v2 =	vld.idx.msk [tilespmem:v2+s5+$0x0], $0xffff;
	[tilespmem:s20+$0xFFFFFFE0] =	vst v8  }
0x5d: {  	[tilespmem:s20+$0x0] =	vst v7;
	s18 =	smul.u32 $0x31000, s31;
	s19 =	ssub.s32 s17, s19  }
0x5e: {  	[tilespmem:s20+$0x10] =	vst v3;
	s19 =	sand.u32 $0xFFFF, s19  }
0x5f: {  	[tilespmem:s20+$0x20] =	vst v63;
	s18 =	sadd.s32 s4, s18;
	s19 =	sshll.u32 s19, $0xB  }
0x60: {  	s21 =	simm.s32 $0x8100;
	[tilespmem:s20+$0xFFFFFFC0] =	vst v4;
	s18 =	sadd.s32 s19, s18  }
0x61: {  	[tilespmem:s20+$0xFFFFFFF0] =	vst v2;
	s20 =	simm.s32 $0x10;
	s19 =	simm.s32 $0x8000;
	s22 =	sadd.s32 $0x0, s18  }
.LBB2_6:
0x62: {  	[hbm4b:s22+s5] =	stream.linear.scatter [tilespmem:s19], [sflag:$0x2], $0x80, $0x38;
	[tilespmem:$0x10000] =	vst v63  }
0x63: {  	s22 =	smov.u32 s20;
	s19 =	smov.u32 s21;
	p1 =	sne.s32 s20, $0x7F0  }
.Ltmp6:
0x64: {  	s20 =	sadd.s32 $0x10, s20;
	(pc) =	sbr.rel @p1 .LBB2_6-.Ltmp6, $2  }
0x65: {  	_ =	sdelay $0x2  }
0x66: {  	s21 =	sadd.s32 $0x100, s21;
	s22 =	sadd.s32 s22, s18  }
0x67: {  	p1 =	sgt.u32 s16, $0x9F3  }
.Ltmp7:
0x68: {  	_ = 	snop;
	(pc) =	sbr.rel @p1 .LBB2_11-.Ltmp7, $2  }
0x69: {  	_ =	sdelay $0x2  }
0x6a: {  	[hbm4b:s22+s5] =	stream.linear.scatter [tilespmem:s19], [sflag:$0x2], $0x80, $0x38;
	[tilespmem:$0x10000] =	vst v63  }
0x6b: {  	p0 =	slt.u32 s16, $0x9D4  }
.Ltmp8:
0x6c: {  	_ = 	snop;
	(pc) =	sbr.rel @!p0 .LBB2_9-.Ltmp8, $4  }
0x6d: {  	_ = 	snop  }
0x6e: {  	_ =	swait.ge [sflag:s11], $0x4000  }
0x6f: {  	[sflag:s11] =	ssyncset.done $0x0  }
0x70: {  	[sflag:s11] =	ssyncadd.s32 $0xFFFFC000  }
0x71: {  	s18 =	sadd.s32 $0x40, s17  }
0x72: {  	s19 =	sand.u32 $0xFFFE, s18  }
0x73: {  	s19 =	sshrl.u32 s19, $0x1  }
0x74: {  	s19 =	smul.u32 $0xA73, s19;
	_ =	sdelay $0x1  }
0x75: {  	s19 =	sshrl.u32 s19, $0x11  }
0x76: {  	s20 =	smul.u32 $0x62, s19;
	_ =	sdelay $0x1  }
0x77: {  	s18 =	ssub.s32 s18, s20  }
0x78: {  	s20 =	sand.u32 $0xFFFF, s18  }
0x79: {  	p1 =	sgt.u32 s20, $0x60  }
0x7a: {  	s20 =	sshll.u32 @p1 s19, $0xB;
	s21 =	simm.s32 @p1 $0x0;
	s18 =	sand.u32 @!p1 $0xFFFF, s18  }
0x7b: {  	s19 =	smul.u32 @!p1 $0x187000, s19;
	s20 =	sadd.s32 @p1 s1, s20;
	s18 =	sshll.u32 @!p1 s18, $0xD  }
0x7c: {  	[tilespmem:s21], [sflag:$0x1] =	stream.linear.gather @p1 [hbm4b:s20+s21], $0x4000, $0x38;
	[tilespmem:$0x10000] =	vst v63  }
0x7d: {  	p0 =	por @p1 $0x1, $0x1;
	p2 =	por @!p1 $0x1, $0x1;
	s18 =	sadd.s32 @!p1 s18, s19  }
0x7e: {  	p0 =	por @!p1 p2, p2;
	s19 =	simm.s32 @!p1 $0x2000;
	s18 =	sshrl.u32 @!p1 s18, $0x3  }
0x7f: {  	s20 =	simm.s32 @!p1 $0xC3800;
	s21 =	simm.s32 @!p1 $0x0;
	s18 =	sadd.s32 @!p1 s0, s18  }
0x80: {  	[tilespmem:s21], [sflag:$0x1] =	stream.strided.gather @!p1 [hbm4b:s18+s19], $0x4000, s20, s19, $0x38;
	[tilespmem:$0x10000] =	vst v63  }
.LBB2_11:
0x81: {  	s17 =	sadd.s32 $0xFFFFFFE0, s17  }
0x82: {  	p1 =	sgt.u32 s17, $0x9F3  }
.Ltmp9:
0x83: {  	_ = 	snop;
	(pc) =	sbr.rel @p1 .LBB2_13-.Ltmp9, $1  }
0x84: {  	_ =	sdelay $0x3  }
.Ltmp10:
0x85: {  	(pc) =	sbr.rel @p0 .LBB2_14-.Ltmp10, $4  }
.Ltmp11:
0x86: {  	(pc) =	sbr.rel @!p0 .LBB2_19-.Ltmp11, $4  }
0x87: {  	_ =	swait.ge [sflag:s12], $0x4000  }
0x88: {  	[sflag:s12] =	ssyncset.done $0x0  }
0x89: {  	[sflag:s12] =	ssyncadd.s32 $0xFFFFC000  }
0x8a: {  	_ = 	snop  }
.LBB2_13:
.Ltmp12:
0x8b: {  	(pc) =	sbr.rel @!p0 .LBB2_19-.Ltmp12, $4  }
.Ltmp13:
0x8c: {  	(pc) =	sbr.rel @p0 .LBB2_14-.Ltmp13, $4  }
0x8d: {  	_ = 	snop  }
0x8e: {  	_ = 	snop  }
0x8f: {  	_ = 	snop  }
0x90: {  	_ = 	snop  }
.LBB2_9:
0x91: {  	_ =	swait.ge [sflag:s12], $0x4000  }
0x92: {  	[sflag:s12] =	ssyncset.done $0x0  }
0x93: {  	[sflag:s12] =	ssyncadd.s32 $0xFFFFC000  }
.LBB2_14:
0x94: {  	v2 =	vimm.s32 $0x0  }
0x95: {  	v3 =	vshll.u32 v2, $0x3  }
0x96: {  	v4 =	vand.u32 $0x78, v2;
	v3 =	vand.u32 $0xFFFFFC00, v3  }
0x97: {  	v4 =	vor.u32 v4, v3  }
0x98: {  	v5 =	vadd.s32 v0, v4  }
0x99: {  	v19 =	vadd.s32 v1, v4  }
0x9a: {  	v6 =	vor.u32 $0x7, v5  }
0x9b: {  	v7 =	vor.u32 $0x1, v5  }
0x9c: {  	v14 =	vadd.s32 $0x8, v2;
	v8 =	vor.u32 $0x2, v5  }
0x9d: {  	v2 =	vshll.u32 v14, $0x3;
	v16 =	vadd.s32 $0x8, v14;
	v11 =	vor.u32 $0x4, v5;
	v3 =	vld.idx.msk [tilespmem:v5+s13+$0x0], $0xffff  }
0x9e: {  	v2 =	vand.u32 $0xFFFFFC00, v2;
	v4 =	vand.u32 $0x78, v14;
	v13 =	vor.u32 $0x5, v5;
	v14 =	vld.idx.msk [tilespmem:v19+s13+$0x0], $0xffff  }
0x9f: {  	v2 =	vor.u32 v4, v2;
	v5 =	vor.u32 $0x6, v5;
	v18 =	vld.idx.msk [tilespmem:v6+s13+$0x0], $0xffff  }
0xa0: {  	v4 =	vadd.s32 v0, v2;
	v9 =	vld.idx.msk [tilespmem:v7+s13+$0x0], $0xffff  }
0xa1: {  	v17 =	vor.u32 $0x7, v4;
	v10 =	vld.idx.msk [tilespmem:v8+s13+$0x0], $0xffff  }
0xa2: {  	v12 =	vld.idx.msk [tilespmem:v11+s13+$0x0], $0xffff;
	v11 =	vor.u32 $0x1, v4  }
0xa3: {  	s17 =	simm.s32 $0x80F0;
	v2 =	vadd.s32 v1, v2;
	v13 =	vld.idx.msk [tilespmem:v13+s13+$0x0], $0xffff;
	v8 =	vor.u32 $0x2, v4  }
0xa4: {  	s18 =	simm.s32 $0x8;
	v7 =	vor.u32 $0x4, v4;
	v6 =	vor.u32 $0x5, v4;
	v15 =	vld.idx.msk [tilespmem:v5+s13+$0x0], $0xffff;
	v5 =	vor.u32 $0x6, v4;
	[tilespmem:s17+$0x0] =	vst v18  }
.LBB2_15:
0xa5: {  	v18 =	vshll.u32 v16, $0x3;
	s18 =	sadd.s32 $0x8, s18;
	v19 =	vld.idx.msk [tilespmem:v4+s13+$0x0], $0xffff;
	[tilespmem:s17+$0xFFFFFFA0] =	vst v9  }
0xa6: {  	v4 =	vand.u32 $0x78, v16;
	v9 =	vand.u32 $0xFFFFFC00, v18;
	p0 =	slt.u32 s18, $0x3F8;
	v18 =	vld.idx.msk [tilespmem:v17+s13+$0x0], $0xffff;
	[tilespmem:s17+$0xFFFFFFB0] =	vst v10  }
0xa7: {  	v10 =	vor.u32 v4, v9;
	v9 =	vld.idx.msk [tilespmem:v11+s13+$0x0], $0xffff;
	[tilespmem:s17+$0xFFFFFFD0] =	vst v12  }
.Ltmp14:
0xa8: {  	v4 =	vadd.s32 v0, v10;
	v20 =	vadd.s32 v1, v10;
	v10 =	vld.idx.msk [tilespmem:v8+s13+$0x0], $0xffff;
	[tilespmem:s17+$0xFFFFFFE0] =	vst v13;
	(pc) =	sbr.rel @p0 .LBB2_15-.Ltmp14, $4  }
0xa9: {  	v11 =	vor.u32 $0x1, v4;
	v8 =	vor.u32 $0x2, v4;
	v17 =	vor.u32 $0x7, v4;
	v12 =	vld.idx.msk [tilespmem:v7+s13+$0x0], $0xffff;
	[tilespmem:s17+$0xFFFFFFF0] =	vst v15  }
0xaa: {  	v7 =	vor.u32 $0x4, v4;
	v21 =	vor.u32 $0x6, v4;
	v13 =	vld.idx.msk [tilespmem:v6+s13+$0x0], $0xffff;
	v6 =	vor.u32 $0x5, v4;
	[tilespmem:s17+$0xFFFFFF90] =	vst v3  }
0xab: {  	v3 =	vmov v19;
	v15 =	vld.idx.msk [tilespmem:v5+s13+$0x0], $0xffff;
	[tilespmem:s17+$0xFFFFFFC0] =	vst v14;
	s17 =	sadd.s32 $0x100, s17;
	v5 =	vmov v21  }
0xac: {  	v16 =	vadd.s32 $0x8, v16;
	v14 =	vld.idx.msk [tilespmem:v2+s13+$0x0], $0xffff;
	[tilespmem:s17+$0x0] =	vst v18;
	v2 =	vmov v20  }
0xad: {  	_ =	sdelay $0x1  }
0xae: {  	[tilespmem:s17+$0xFFFFFFA0] =	vst v9  }
0xaf: {  	[tilespmem:s17+$0xFFFFFFB0] =	vst v10  }
0xb0: {  	v62 =	vld.idx.msk [tilespmem:v17+s13+$0x0], $0xffff;
	[tilespmem:s17+$0xFFFFFF90] =	vst v3  }
0xb1: {  	v63 =	vld.idx.msk [tilespmem:v11+s13+$0x0], $0xffff;
	[tilespmem:s17+$0xFFFFFFD0] =	vst v12  }
0xb2: {  	v8 =	vld.idx.msk [tilespmem:v8+s13+$0x0], $0xffff;
	[tilespmem:s17+$0xFFFFFFE0] =	vst v13  }
0xb3: {  	v7 =	vld.idx.msk [tilespmem:v7+s13+$0x0], $0xffff;
	[tilespmem:s17+$0xFFFFFFF0] =	vst v15  }
0xb4: {  	v3 =	vld.idx.msk [tilespmem:v6+s13+$0x0], $0xffff;
	s18 =	sadd.s32 $0x100, s17;
	[tilespmem:s17+$0xFFFFFFC0] =	vst v14  }
0xb5: {  	s30 =	smulhi.u32 $0x5397829D, s16;
	v5 =	vld.idx.msk [tilespmem:v5+s13+$0x0], $0xffff;
	[tilespmem:s18+$0x0] =	vst v62  }
0xb6: {  	v4 =	vld.idx.msk [tilespmem:v4+s13+$0x0], $0xffff;
	[tilespmem:s18+$0xFFFFFFA0] =	vst v63  }
0xb7: {  	v2 =	vld.idx.msk [tilespmem:v2+s13+$0x0], $0xffff;
	s17 =	sshrl.u32 s30, $0x5;
	[tilespmem:s18+$0xFFFFFFB0] =	vst v8  }
0xb8: {  	s19 =	smul.u32 $0x62, s17;
	[tilespmem:s18+$0xFFFFFFD0] =	vst v7  }
0xb9: {  	s17 =	smul.u32 $0x31000, s17;
	[tilespmem:s18+$0xFFFFFFE0] =	vst v3  }
0xba: {  	[tilespmem:s18+$0xFFFFFFF0] =	vst v5;
	s31 =	ssub.s32 s16, s19  }
0xbb: {  	[tilespmem:s18+$0xFFFFFF90] =	vst v4;
	s17 =	sadd.s32 s4, s17;
	s16 =	sshll.u32 s31, $0xB  }
0xbc: {  	[tilespmem:s18+$0xFFFFFFC0] =	vst v2;
	s18 =	simm.s32 $0x10;
	s16 =	sadd.s32 s16, s17  }
0xbd: {  	s19 =	simm.s32 $0x8180;
	s17 =	simm.s32 $0x8080;
	s20 =	sadd.s32 $0x0, s16  }
.LBB2_17:
0xbe: {  	[hbm4b:s20+s5] =	stream.linear.scatter [tilespmem:s17], [sflag:$0x3], $0x80, $0x38;
	[tilespmem:$0x10000] =	vst v63  }
0xbf: {  	s20 =	smov.u32 s18;
	s17 =	smov.u32 s19;
	p0 =	sne.s32 s18, $0x7F0  }
.Ltmp15:
0xc0: {  	s18 =	sadd.s32 $0x10, s18;
	(pc) =	sbr.rel @p0 .LBB2_17-.Ltmp15, $2  }
0xc1: {  	_ =	sdelay $0x2  }
0xc2: {  	s19 =	sadd.s32 $0x100, s19;
	s20 =	sadd.s32 s20, s16  }
.Ltmp16:
0xc3: {  	(pc) =	sbr.rel .LBB2_19-.Ltmp16, $2  }
0xc4: {  	_ =	sdelay $0x2  }
0xc5: {  	[hbm4b:s20+s5] =	stream.linear.scatter [tilespmem:s17], [sflag:$0x3], $0x80, $0x38;
	[tilespmem:$0x10000] =	vst v63  }
.LBB2_21:
0xc6: {  	_ =	sfence.sel $0x180000  }
0xc7: {  	[bflag:$0x0] =	sbarrier.arrive $0xFFFF  }
0xc8: {  	p0 =	sne.s32 s2, $0x0;
	_ =	strace $0x90000047  }
0xc9: {  	s0 =	sadd.s32 @!p0 $0x100000, s3;
	[bflag:$0x2] =	sbarrier.arrive $0xFFFF  }
0xca: {  	[sflag:s0] =	ssyncadd.tile.s32 @!p0 $0x1;
	_ =	shalt  }
.Lfunc_end2:
_tile_overlayer_lowered:
.L_overlay_start_2:
0xcb: {  	(tag) =	ssettag $0x2  }
0xcc: {  	s0 =	rddreg [dreg:$0x0];
	s2 =	stileid.u32  }
0xcd: {  	s1 =	rddreg [dreg:$0x1];
	p0 =	sne.s32 s2, $0x0  }
0xce: {  	s3 =	rddreg [dreg:$0x2];
	[bflag:$0x3] =	sbarrier.arrive $0xFFFF;
	s2 =	simm.s32 @!p0 $0x1C04  }
0xcf: {  	[timem:s3], [sflag:s2] =	dma.local @!p0 [hbm:s0], s1  }
0xd0: {  	s0 =	simm.s32 @!p0 $0x4  }
0xd1: {  	_ =	swait.ge @!p0 [sflag:s0], s1  }
0xd2: {  	s1 =	ssub.s32 @!p0 $0x0, s1;
	[sflag:s0] =	ssyncset.done @!p0 $0x0  }
0xd3: {  	[sflag:s0] =	ssyncadd.s32 @!p0 s1  }
0xd4: {  	[bflag:$0x3] =	sbarrier.arrive $0xFFFF  }
0xd5: {  	_ =	shalt  }

</sc_bundles>
